<compile_context>
chip_gen: v7x
topology: tpu7x:2x2x1
jax: 0.10.2.dev20260603
libtpu: 0.0.44.dev20260713+nightly
codegen_flags: <defaults>
</compile_context>

<pallas_src>
import functools

import jax
import jax.numpy as jnp
from jax import lax
from jax.experimental import pallas as pl
from jax.experimental.pallas import tpu as pltpu
from jax.experimental.pallas import tpu_sc as plsc

V = 1_000_000
D = 64
B = 327_680

HB = 4096
GRID = -(-V // (2 * HB))
NP = GRID * HB
MAXBLK = -(-V // HB) - 1


def _pack_kernel(a_ref, b_ref, out_ref):
    out_ref[...] = jnp.concatenate(
        [jnp.transpose(a_ref[...], (1, 0)),
         jnp.transpose(b_ref[...], (1, 0))], axis=1)


def _pack(table_t):
    return pl.pallas_call(
        _pack_kernel,
        grid=(GRID,),
        in_specs=[
            pl.BlockSpec((D, HB), lambda g: (0, jnp.minimum(2 * g, MAXBLK))),
            pl.BlockSpec((D, HB), lambda g: (0, jnp.minimum(2 * g + 1, MAXBLK))),
        ],
        out_specs=pl.BlockSpec((HB, 128), lambda g: (g, 0)),
        out_shape=jax.ShapeDtypeStruct((NP, 128), jnp.float32),
    )(table_t, table_t)


NC, NS = 2, 16
NW = NC * NS
CHUNK = 128
PER_W = B // NW
N_CHUNKS = PER_W // CHUNK
NBUF = 5
N_ROUNDS = N_CHUNKS // NBUF


TCB = B // 128


def _make_gather():
    mesh = plsc.VectorSubcoreMesh(
        core_axis_name="c", subcore_axis_name="s",
        num_cores=NC, num_subcores=NS)

    @functools.partial(
        pl.kernel,
        out_type=jax.ShapeDtypeStruct((8, TCB, 8, 128), jnp.float32),
        mesh=mesh,
        scratch_types=[
            pltpu.VMEM((N_CHUNKS, CHUNK), jnp.int32),
            pltpu.VMEM((NBUF, CHUNK, D), jnp.float32),
            pltpu.VMEM((NBUF, 8, 8, CHUNK), jnp.float32),
        ] + [pltpu.SemaphoreType.DMA] * (2 * NBUF),
        compiler_params=pltpu.CompilerParams(
            use_tc_tiling_on_sc=False, needs_layout_passes=False),
    )
    def gather_kernel(idx_hbm, table_hbm, out_hbm, idx_v, rows_v, trans_v,
                      *sems):
        gsem = sems[:NBUF]
        wsem = sems[NBUF:]
        wid = lax.axis_index("s") * NC + lax.axis_index("c")
        pltpu.sync_copy(idx_hbm.at[wid], idx_v)
        tc0 = wid * N_CHUNKS

        def fire(c, b):
            pltpu.async_copy(
                table_hbm.at[idx_v.at[c]], rows_v.at[b], gsem[b])

        def drain_gather(b):
            pltpu.make_async_copy(
                table_hbm.at[idx_v.at[0]], rows_v.at[b], gsem[b]).wait()

        iota = lax.iota(jnp.int32, 16)

        def transpose(b):
            rows = rows_v.at[b]
            trans = trans_v.at[b]

            @pl.loop(0, 64)
            def diag(j0):
                colv = (j0 + iota) & 63
                tv = colv >> 3
                jv = colv & 7
                for m in range(8):
                    rowv = iota + 16 * m
                    vals = plsc.load_gather(rows, [rowv, colv])
                    plsc.store_scatter(trans, [tv, jv, rowv], vals)

        def start_write(c, b):
            pltpu.async_copy(trans_v.at[b], out_hbm.at[:, tc0 + c], wsem[b])

        def drain_write(b):
            pltpu.make_async_copy(
                trans_v.at[b], out_hbm.at[:, tc0], wsem[b]).wait()

        for b in range(NBUF):
            fire(b, b)

        @pl.loop(0, N_ROUNDS)
        def body(r):
            for b in range(NBUF):
                c = r * NBUF + b
                drain_gather(b)

                @pl.when(r > 0)
                def _():
                    drain_write(b)

                transpose(b)
                start_write(c, b)

                @pl.when(r < N_ROUNDS - 1)
                def _():
                    fire(c + NBUF, b)

        for b in range(NBUF):
            drain_write(b)

    return gather_kernel


_gather = _make_gather()


@jax.jit
def kernel(indices, table):
    r = indices.astype(jnp.int32)
    q = r & (2 * HB - 1)
    r2 = (r & ~jnp.int32(2 * HB - 1)) + 2 * (q & (HB - 1)) + (q // HB)
    idx = r2.reshape(NW, N_CHUNKS, CHUNK)
    packed = _pack(table.T)
    flat = packed.reshape(2 * NP, D)
    out4 = _gather(idx, flat)
    out = out4.transpose(1, 3, 0, 2).reshape(B, D)
    return {"item_id": out}

# --- scband reference (transcript-rebuilt; emitter-appended) ---
"""Pipeline reference for scband-custom-embedding-collection-58291296141452 (READ-ONLY COPY).

The authoritative reference and input builder live on the scoring server;
editing this copy changes nothing except your own understanding.
"""

import jax, jax.numpy as jnp
import numpy as np

NUM_EMBEDDINGS = 1000000
EMBED_DIM = 64
NUM_INDICES = 327680  # batch=16384 * hist_len=20, flattened KJT values


def setup_inputs(seed: int = 0) -> dict:
    key = jax.random.key(seed)
    k_idx, k_tab = jax.random.split(key)
    # KJT values for feature 'item_id' (flat jagged values)
    indices = jax.random.randint(k_idx, (NUM_INDICES,), 0, NUM_EMBEDDINGS, dtype=jnp.int64)
    # Learned parameter: the full logical embedding table. In the torch module the
    # table is split between a CPU shard (weight_cpu, rows [row_start:row_end]) and a
    # GPU cache (weight_gpu) whose rows are exact copies of CPU rows (perm).
    # In single-rank mode row_start=0, row_end=num_embeddings, and a lookup routed
    # through either the GPU cache or the CPU fallback returns full_table[idx].
    table = jax.random.uniform(k_tab, (NUM_EMBEDDINGS, EMBED_DIM), minval=-0.01, maxval=0.01, dtype=jnp.float32)
    return {"indices": indices, "table": table}


def reference(indices, table):
    # forward: for each feature key, gather embedding rows.
    # cache-hit path: emb_out[mask_gpu] = weight_gpu[pos_in_cache]  == table[idx]
    # cache-miss path: emb_out[mask_cpu] = weight_cpu[idx - row_start] == table[idx]
    # Combined, the math is a single row-gather on the logical table.
    emb_out = jnp.take(table, indices, axis=0)
    return {"item_id": emb_out}

if __name__ == "__main__":
    import jax
    _d = setup_inputs()
    print(jax.jit(kernel)(*tuple(_d.values())))

</pallas_src>

<mosaic_0001>
#map = affine_map<(d0, d1) -> (0, 0, 0)>
#map1 = affine_map<(d0, d1) -> (0, 0)>
#map2 = affine_map<(d0, d1) -> (0, 0, 0, 0)>
module attributes {stable_mosaic.version = 14 : i64} {
  func.func @gather_kernel(%arg0: i32, %arg1: i32, %arg2: memref<32x80x128xi32, #tpu.memory_space<hbm>>, %arg3: memref<1007616x64xf32, #tpu.memory_space<hbm>>, %arg4: memref<8x2560x8x128xf32, #tpu.memory_space<hbm>>, %arg5: memref<80x128xi32, #tpu.memory_space<vmem>>, %arg6: memref<5x128x64xf32, #tpu.memory_space<vmem>>, %arg7: memref<5x8x8x128xf32, #tpu.memory_space<vmem>>, %arg8: memref<!tpu.dma_semaphore, #tpu.memory_space<semaphore_mem>>, %arg9: memref<!tpu.dma_semaphore, #tpu.memory_space<semaphore_mem>>, %arg10: memref<!tpu.dma_semaphore, #tpu.memory_space<semaphore_mem>>, %arg11: memref<!tpu.dma_semaphore, #tpu.memory_space<semaphore_mem>>, %arg12: memref<!tpu.dma_semaphore, #tpu.memory_space<semaphore_mem>>, %arg13: memref<!tpu.dma_semaphore, #tpu.memory_space<semaphore_mem>>, %arg14: memref<!tpu.dma_semaphore, #tpu.memory_space<semaphore_mem>>, %arg15: memref<!tpu.dma_semaphore, #tpu.memory_space<semaphore_mem>>, %arg16: memref<!tpu.dma_semaphore, #tpu.memory_space<semaphore_mem>>, %arg17: memref<!tpu.dma_semaphore, #tpu.memory_space<semaphore_mem>>) attributes {dimension_semantics = [#tpu.dimension_semantics<core_parallel>, #tpu.dimension_semantics<subcore_parallel>], iteration_bounds = array<i64: 2, 16>, scalar_prefetch = 0 : i64, scratch_operands = 13 : i64, tpu.core_type = #tpu.core_type<sc_vector_subcore>, window_params = [{transform_indices = #map}, {transform_indices = #map1}, {transform_indices = #map2}]} {
    %mul3A = arith.constant 2 : i32
    %mul3A_0 = arith.muli %arg1, %mul3A : i32
    %add3A = arith.addi %mul3A_0, %arg0 : i32
    "tpu.region"() ({
      %run_scoped3A = tpu.sem_alloc : memref<!tpu.dma_semaphore, #tpu.memory_space<semaphore_mem>>
      %dma_start3A_170 = arith.constant 0 : i32
      %dma_start3A_171 = arith.constant 0 : i32
      %dma_start3A_172 = tpu.memref_slice %arg2[%add3A, %dma_start3A_170, %dma_start3A_171] : memref<32x80x128xi32, #tpu.memory_space<hbm>> -> memref<1x80x128xi32, #tpu.memory_space<hbm>>
      %dma_start3A_173 = tpu.memref_squeeze %dma_start3A_172 : memref<1x80x128xi32, #tpu.memory_space<hbm>> -> memref<80x128xi32, #tpu.memory_space<hbm>>
      %dma_start3A_174 = arith.constant 0 : i32
      %dma_start3A_175 = arith.constant 0 : i32
      %dma_start3A_176 = tpu.memref_slice %arg2[%add3A, %dma_start3A_174, %dma_start3A_175] : memref<32x80x128xi32, #tpu.memory_space<hbm>> -> memref<1x80x128xi32, #tpu.memory_space<hbm>>
      %dma_start3A_177 = tpu.memref_squeeze %dma_start3A_176 : memref<1x80x128xi32, #tpu.memory_space<hbm>> -> memref<80x128xi32, #tpu.memory_space<hbm>>
      tpu.enqueue_dma source(%dma_start3A_177 : memref<80x128xi32, #tpu.memory_space<hbm>>) target(%arg5 : memref<80x128xi32, #tpu.memory_space<vmem>>) target_semaphore(%run_scoped3A : memref<!tpu.dma_semaphore, #tpu.memory_space<semaphore_mem>>)
      %dma_wait3A_178 = arith.constant 0 : i32
      %dma_wait3A_179 = arith.constant 0 : i32
      %dma_wait3A_180 = tpu.memref_slice %arg2[%add3A, %dma_wait3A_178, %dma_wait3A_179] : memref<32x80x128xi32, #tpu.memory_space<hbm>> -> memref<1x80x128xi32, #tpu.memory_space<hbm>>
      %dma_wait3A_181 = tpu.memref_squeeze %dma_wait3A_180 : memref<1x80x128xi32, #tpu.memory_space<hbm>> -> memref<80x128xi32, #tpu.memory_space<hbm>>
      %dma_wait3A_182 = arith.constant 0 : i32
      %dma_wait3A_183 = arith.constant 0 : i32
      %dma_wait3A_184 = tpu.memref_slice %arg2[%add3A, %dma_wait3A_182, %dma_wait3A_183] : memref<32x80x128xi32, #tpu.memory_space<hbm>> -> memref<1x80x128xi32, #tpu.memory_space<hbm>>
      %dma_wait3A_185 = tpu.memref_squeeze %dma_wait3A_184 : memref<1x80x128xi32, #tpu.memory_space<hbm>> -> memref<80x128xi32, #tpu.memory_space<hbm>>
      tpu.wait_dma2 semaphore(%run_scoped3A : memref<!tpu.dma_semaphore, #tpu.memory_space<semaphore_mem>>) src(%dma_wait3A_185 : memref<80x128xi32, #tpu.memory_space<hbm>>) dst(%arg5 : memref<80x128xi32, #tpu.memory_space<vmem>>)
      tpu.yield
    }) : () -> ()
    %mul3A_1 = arith.constant 80 : i32
    %mul3A_2 = arith.muli %add3A, %mul3A_1 : i32
    %iota3A = tpu.iota {dimensions = array<i32: 0>} : vector<16xi32>
    %dma_start3A = arith.constant 0 : i32
    %dma_start3A_3 = arith.constant 0 : i32
    %dma_start3A_4 = arith.constant 0 : i32
    %dma_start3A_5 = arith.constant 0 : i32
    %dma_start3A_6 = tpu.memref_slice %arg6[%dma_start3A_3, %dma_start3A_4, %dma_start3A_5] : memref<5x128x64xf32, #tpu.memory_space<vmem>> -> memref<1x128x64xf32, #tpu.memory_space<vmem>>
    %dma_start3A_7 = tpu.memref_squeeze %dma_start3A_6 : memref<1x128x64xf32, #tpu.memory_space<vmem>> -> memref<128x64xf32, #tpu.memory_space<vmem>>
    %dma_start3A_8 = arith.constant 0 : i32
    %dma_start3A_9 = tpu.memref_slice %arg5[%dma_start3A, %dma_start3A_8] : memref<80x128xi32, #tpu.memory_space<vmem>> -> memref<1x128xi32, #tpu.memory_space<vmem>>
    %dma_start3A_10 = tpu.memref_squeeze %dma_start3A_9 : memref<1x128xi32, #tpu.memory_space<vmem>> -> memref<128xi32, #tpu.memory_space<vmem>>
    %dma_start3A_11 = arith.constant 0 : i32
    %dma_start3A_12 = arith.constant 0 : i32
    %dma_start3A_13 = tpu.memref_slice %arg3[%dma_start3A_11, %dma_start3A_12] : memref<1007616x64xf32, #tpu.memory_space<hbm>> -> memref<1007616x64xf32, #tpu.memory_space<hbm>>
    tpu.enqueue_indirect_dma source(%dma_start3A_13 : memref<1007616x64xf32, #tpu.memory_space<hbm>>) target(%dma_start3A_7 : memref<128x64xf32, #tpu.memory_space<vmem>>) offsets(%dma_start3A_10 : memref<128xi32, #tpu.memory_space<vmem>>) semaphore(%arg8 : memref<!tpu.dma_semaphore, #tpu.memory_space<semaphore_mem>>)
    %dma_start3A_14 = arith.constant 1 : i32
    %dma_start3A_15 = arith.constant 1 : i32
    %dma_start3A_16 = arith.constant 0 : i32
    %dma_start3A_17 = arith.constant 0 : i32
    %dma_start3A_18 = tpu.memref_slice %arg6[%dma_start3A_15, %dma_start3A_16, %dma_start3A_17] : memref<5x128x64xf32, #tpu.memory_space<vmem>> -> memref<1x128x64xf32, #tpu.memory_space<vmem>>
    %dma_start3A_19 = tpu.memref_squeeze %dma_start3A_18 : memref<1x128x64xf32, #tpu.memory_space<vmem>> -> memref<128x64xf32, #tpu.memory_space<vmem>>
    %dma_start3A_20 = arith.constant 0 : i32
    %dma_start3A_21 = tpu.memref_slice %arg5[%dma_start3A_14, %dma_start3A_20] : memref<80x128xi32, #tpu.memory_space<vmem>> -> memref<1x128xi32, #tpu.memory_space<vmem>>
    %dma_start3A_22 = tpu.memref_squeeze %dma_start3A_21 : memref<1x128xi32, #tpu.memory_space<vmem>> -> memref<128xi32, #tpu.memory_space<vmem>>
    %dma_start3A_23 = arith.constant 0 : i32
    %dma_start3A_24 = arith.constant 0 : i32
    %dma_start3A_25 = tpu.memref_slice %arg3[%dma_start3A_23, %dma_start3A_24] : memref<1007616x64xf32, #tpu.memory_space<hbm>> -> memref<1007616x64xf32, #tpu.memory_space<hbm>>
    tpu.enqueue_indirect_dma source(%dma_start3A_25 : memref<1007616x64xf32, #tpu.memory_space<hbm>>) target(%dma_start3A_19 : memref<128x64xf32, #tpu.memory_space<vmem>>) offsets(%dma_start3A_22 : memref<128xi32, #tpu.memory_space<vmem>>) semaphore(%arg9 : memref<!tpu.dma_semaphore, #tpu.memory_space<semaphore_mem>>)
    %dma_start3A_26 = arith.constant 2 : i32
    %dma_start3A_27 = arith.constant 2 : i32
    %dma_start3A_28 = arith.constant 0 : i32
    %dma_start3A_29 = arith.constant 0 : i32
    %dma_start3A_30 = tpu.memref_slice %arg6[%dma_start3A_27, %dma_start3A_28, %dma_start3A_29] : memref<5x128x64xf32, #tpu.memory_space<vmem>> -> memref<1x128x64xf32, #tpu.memory_space<vmem>>
    %dma_start3A_31 = tpu.memref_squeeze %dma_start3A_30 : memref<1x128x64xf32, #tpu.memory_space<vmem>> -> memref<128x64xf32, #tpu.memory_space<vmem>>
    %dma_start3A_32 = arith.constant 0 : i32
    %dma_start3A_33 = tpu.memref_slice %arg5[%dma_start3A_26, %dma_start3A_32] : memref<80x128xi32, #tpu.memory_space<vmem>> -> memref<1x128xi32, #tpu.memory_space<vmem>>
    %dma_start3A_34 = tpu.memref_squeeze %dma_start3A_33 : memref<1x128xi32, #tpu.memory_space<vmem>> -> memref<128xi32, #tpu.memory_space<vmem>>
    %dma_start3A_35 = arith.constant 0 : i32
    %dma_start3A_36 = arith.constant 0 : i32
    %dma_start3A_37 = tpu.memref_slice %arg3[%dma_start3A_35, %dma_start3A_36] : memref<1007616x64xf32, #tpu.memory_space<hbm>> -> memref<1007616x64xf32, #tpu.memory_space<hbm>>
    tpu.enqueue_indirect_dma source(%dma_start3A_37 : memref<1007616x64xf32, #tpu.memory_space<hbm>>) target(%dma_start3A_31 : memref<128x64xf32, #tpu.memory_space<vmem>>) offsets(%dma_start3A_34 : memref<128xi32, #tpu.memory_space<vmem>>) semaphore(%arg10 : memref<!tpu.dma_semaphore, #tpu.memory_space<semaphore_mem>>)
    %dma_start3A_38 = arith.constant 3 : i32
    %dma_start3A_39 = arith.constant 3 : i32
    %dma_start3A_40 = arith.constant 0 : i32
    %dma_start3A_41 = arith.constant 0 : i32
    %dma_start3A_42 = tpu.memref_slice %arg6[%dma_start3A_39, %dma_start3A_40, %dma_start3A_41] : memref<5x128x64xf32, #tpu.memory_space<vmem>> -> memref<1x128x64xf32, #tpu.memory_space<vmem>>
    %dma_start3A_43 = tpu.memref_squeeze %dma_start3A_42 : memref<1x128x64xf32, #tpu.memory_space<vmem>> -> memref<128x64xf32, #tpu.memory_space<vmem>>
    %dma_start3A_44 = arith.constant 0 : i32
    %dma_start3A_45 = tpu.memref_slice %arg5[%dma_start3A_38, %dma_start3A_44] : memref<80x128xi32, #tpu.memory_space<vmem>> -> memref<1x128xi32, #tpu.memory_space<vmem>>
    %dma_start3A_46 = tpu.memref_squeeze %dma_start3A_45 : memref<1x128xi32, #tpu.memory_space<vmem>> -> memref<128xi32, #tpu.memory_space<vmem>>
    %dma_start3A_47 = arith.constant 0 : i32
    %dma_start3A_48 = arith.constant 0 : i32
    %dma_start3A_49 = tpu.memref_slice %arg3[%dma_start3A_47, %dma_start3A_48] : memref<1007616x64xf32, #tpu.memory_space<hbm>> -> memref<1007616x64xf32, #tpu.memory_space<hbm>>
    tpu.enqueue_indirect_dma source(%dma_start3A_49 : memref<1007616x64xf32, #tpu.memory_space<hbm>>) target(%dma_start3A_43 : memref<128x64xf32, #tpu.memory_space<vmem>>) offsets(%dma_start3A_46 : memref<128xi32, #tpu.memory_space<vmem>>) semaphore(%arg11 : memref<!tpu.dma_semaphore, #tpu.memory_space<semaphore_mem>>)
    %dma_start3A_50 = arith.constant 4 : i32
    %dma_start3A_51 = arith.constant 4 : i32
    %dma_start3A_52 = arith.constant 0 : i32
    %dma_start3A_53 = arith.constant 0 : i32
    %dma_start3A_54 = tpu.memref_slice %arg6[%dma_start3A_51, %dma_start3A_52, %dma_start3A_53] : memref<5x128x64xf32, #tpu.memory_space<vmem>> -> memref<1x128x64xf32, #tpu.memory_space<vmem>>
    %dma_start3A_55 = tpu.memref_squeeze %dma_start3A_54 : memref<1x128x64xf32, #tpu.memory_space<vmem>> -> memref<128x64xf32, #tpu.memory_space<vmem>>
    %dma_start3A_56 = arith.constant 0 : i32
    %dma_start3A_57 = tpu.memref_slice %arg5[%dma_start3A_50, %dma_start3A_56] : memref<80x128xi32, #tpu.memory_space<vmem>> -> memref<1x128xi32, #tpu.memory_space<vmem>>
    %dma_start3A_58 = tpu.memref_squeeze %dma_start3A_57 : memref<1x128xi32, #tpu.memory_space<vmem>> -> memref<128xi32, #tpu.memory_space<vmem>>
    %dma_start3A_59 = arith.constant 0 : i32
    %dma_start3A_60 = arith.constant 0 : i32
    %dma_start3A_61 = tpu.memref_slice %arg3[%dma_start3A_59, %dma_start3A_60] : memref<1007616x64xf32, #tpu.memory_space<hbm>> -> memref<1007616x64xf32, #tpu.memory_space<hbm>>
    tpu.enqueue_indirect_dma source(%dma_start3A_61 : memref<1007616x64xf32, #tpu.memory_space<hbm>>) target(%dma_start3A_55 : memref<128x64xf32, #tpu.memory_space<vmem>>) offsets(%dma_start3A_58 : memref<128xi32, #tpu.memory_space<vmem>>) semaphore(%arg12 : memref<!tpu.dma_semaphore, #tpu.memory_space<semaphore_mem>>)
    %scan3A = arith.constant 0 : i32
    %scan3A_62 = arith.constant 16 : i32
    %scan3A_63 = arith.addi %scan3A, %scan3A_62 : i32
    %scan3A_64 = arith.constant 1 : i32
    scf.for %scan3A_170 = %scan3A to %scan3A_63 step %scan3A_64  : i32 {
      %mul3A_171 = arith.constant 1 : i32
      %mul3A_172 = arith.muli %scan3A_170, %mul3A_171 : i32
      %add3A_173 = arith.constant 0 : i32
      %add3A_174 = arith.addi %add3A_173, %mul3A_172 : i32
      %mul3A_175 = arith.constant 5 : i32
      %mul3A_176 = arith.muli %add3A_174, %mul3A_175 : i32
      %add3A_177 = arith.constant 0 : i32
      %add3A_178 = arith.addi %mul3A_176, %add3A_177 : i32
      %dma_wait3A_179 = arith.constant 0 : i32
      %dma_wait3A_180 = arith.constant 0 : i32
      %dma_wait3A_181 = arith.constant 0 : i32
      %dma_wait3A_182 = arith.constant 0 : i32
      %dma_wait3A_183 = tpu.memref_slice %arg6[%dma_wait3A_180, %dma_wait3A_181, %dma_wait3A_182] : memref<5x128x64xf32, #tpu.memory_space<vmem>> -> memref<1x128x64xf32, #tpu.memory_space<vmem>>
      %dma_wait3A_184 = tpu.memref_squeeze %dma_wait3A_183 : memref<1x128x64xf32, #tpu.memory_space<vmem>> -> memref<128x64xf32, #tpu.memory_space<vmem>>
      %dma_wait3A_185 = arith.constant 0 : i32
      %dma_wait3A_186 = tpu.memref_slice %arg5[%dma_wait3A_179, %dma_wait3A_185] : memref<80x128xi32, #tpu.memory_space<vmem>> -> memref<1x128xi32, #tpu.memory_space<vmem>>
      %dma_wait3A_187 = tpu.memref_squeeze %dma_wait3A_186 : memref<1x128xi32, #tpu.memory_space<vmem>> -> memref<128xi32, #tpu.memory_space<vmem>>
      %dma_wait3A_188 = arith.constant 0 : i32
      %dma_wait3A_189 = arith.constant 0 : i32
      %dma_wait3A_190 = tpu.memref_slice %arg3[%dma_wait3A_188, %dma_wait3A_189] : memref<1007616x64xf32, #tpu.memory_space<hbm>> -> memref<1007616x64xf32, #tpu.memory_space<hbm>>
      tpu.wait_indirect_dma semaphore(%arg8 : memref<!tpu.dma_semaphore, #tpu.memory_space<semaphore_mem>>) src(%dma_wait3A_190 : memref<1007616x64xf32, #tpu.memory_space<hbm>>) dst(%dma_wait3A_184 : memref<128x64xf32, #tpu.memory_space<vmem>>)
      %gt3A = arith.constant 0 : i32
      %gt3A_191 = arith.cmpi sgt, %add3A_174, %gt3A : i32
      %convert_element_type3A = arith.extui %gt3A_191 : i1 to i32
      %cond3A = arith.constant 0 : i32
      %cond3A_192 = arith.cmpi ne, %convert_element_type3A, %cond3A : i32
      scf.if %cond3A_192 {
        %dma_wait3A_446 = arith.constant 0 : i32
        %dma_wait3A_447 = arith.constant 0 : i32
        %dma_wait3A_448 = arith.constant 0 : i32
        %dma_wait3A_449 = arith.constant 0 : i32
        %dma_wait3A_450 = tpu.memref_slice %arg7[%dma_wait3A_446, %dma_wait3A_447, %dma_wait3A_448, %dma_wait3A_449] : memref<5x8x8x128xf32, #tpu.memory_space<vmem>> -> memref<1x8x8x128xf32, #tpu.memory_space<vmem>>
        %dma_wait3A_451 = tpu.memref_squeeze %dma_wait3A_450 : memref<1x8x8x128xf32, #tpu.memory_space<vmem>> -> memref<8x8x128xf32, #tpu.memory_space<vmem>>
        %dma_wait3A_452 = arith.constant 0 : i32
        %dma_wait3A_453 = arith.constant 0 : i32
        %dma_wait3A_454 = arith.constant 0 : i32
        %dma_wait3A_455 = tpu.memref_slice %arg4[%dma_wait3A_452, %mul3A_2, %dma_wait3A_453, %dma_wait3A_454] : memref<8x2560x8x128xf32, #tpu.memory_space<hbm>> -> memref<8x1x8x128xf32, #tpu.memory_space<hbm>>
        %dma_wait3A_456 = tpu.memref_squeeze %dma_wait3A_455 : memref<8x1x8x128xf32, #tpu.memory_space<hbm>> -> memref<8x8x128xf32, #tpu.memory_space<hbm>>
        %dma_wait3A_457 = arith.constant 0 : i32
        %dma_wait3A_458 = arith.constant 0 : i32
        %dma_wait3A_459 = arith.constant 0 : i32
        %dma_wait3A_460 = tpu.memref_slice %arg4[%dma_wait3A_457, %mul3A_2, %dma_wait3A_458, %dma_wait3A_459] : memref<8x2560x8x128xf32, #tpu.memory_space<hbm>> -> memref<8x1x8x128xf32, #tpu.memory_space<hbm>>
        %dma_wait3A_461 = tpu.memref_squeeze %dma_wait3A_460 : memref<8x1x8x128xf32, #tpu.memory_space<hbm>> -> memref<8x8x128xf32, #tpu.memory_space<hbm>>
        %dma_wait3A_462 = arith.constant 0 : i32
        %dma_wait3A_463 = arith.constant 0 : i32
        %dma_wait3A_464 = arith.constant 0 : i32
        %dma_wait3A_465 = tpu.memref_slice %arg7[%dma_wait3A_446, %dma_wait3A_462, %dma_wait3A_463, %dma_wait3A_464] : memref<5x8x8x128xf32, #tpu.memory_space<vmem>> -> memref<1x8x8x128xf32, #tpu.memory_space<vmem>>
        %dma_wait3A_466 = tpu.memref_squeeze %dma_wait3A_465 : memref<1x8x8x128xf32, #tpu.memory_space<vmem>> -> memref<8x8x128xf32, #tpu.memory_space<vmem>>
        tpu.wait_dma2 semaphore(%arg13 : memref<!tpu.dma_semaphore, #tpu.memory_space<semaphore_mem>>) src(%dma_wait3A_466 : memref<8x8x128xf32, #tpu.memory_space<vmem>>) dst(%dma_wait3A_461 : memref<8x8x128xf32, #tpu.memory_space<hbm>>)
      } else {
      }
      %scan3A_193 = arith.constant 0 : i32
      %scan3A_194 = arith.constant 0 : i32
      %scan3A_195 = arith.constant 0 : i32
      %scan3A_196 = arith.constant 64 : i32
      %scan3A_197 = arith.addi %scan3A_195, %scan3A_196 : i32
      %scan3A_198 = arith.constant 1 : i32
      scf.for %scan3A_446 = %scan3A_195 to %scan3A_197 step %scan3A_198  : i32 {
        %mul3A_447 = arith.constant 1 : i32
        %mul3A_448 = arith.muli %scan3A_446, %mul3A_447 : i32
        %add3A_449 = arith.constant 0 : i32
        %add3A_450 = arith.addi %add3A_449, %mul3A_448 : i32
        %add3A_451 = vector.broadcast %add3A_450 : i32 to vector<16xi32>
        %add3A_452 = arith.addi %add3A_451, %iota3A : vector<16xi32>
        %and3A = arith.constant 63 : i32
        %and3A_453 = vector.broadcast %and3A : i32 to vector<16xi32>
        %and3A_454 = arith.andi %add3A_452, %and3A_453 : vector<16xi32>
        %shift_right_arithmetic3A = arith.constant 3 : i32
        %shift_right_arithmetic3A_455 = vector.broadcast %shift_right_arithmetic3A : i32 to vector<16xi32>
        %shift_right_arithmetic3A_456 = arith.shrsi %and3A_454, %shift_right_arithmetic3A_455 : vector<16xi32>
        %and3A_457 = arith.constant 7 : i32
        %and3A_458 = vector.broadcast %and3A_457 : i32 to vector<16xi32>
        %and3A_459 = arith.andi %and3A_454, %and3A_458 : vector<16xi32>
        %add3A_460 = arith.constant 0 : i32
        %add3A_461 = vector.broadcast %add3A_460 : i32 to vector<16xi32>
        %add3A_462 = arith.addi %iota3A, %add3A_461 : vector<16xi32>
        %gather3A = arith.constant 0 : i32
        %gather3A_463 = arith.constant 0 : i32
        %gather3A_464 = tpu.memref_slice %arg6[%scan3A_193, %gather3A, %gather3A_463] : memref<5x128x64xf32, #tpu.memory_space<vmem>> -> memref<1x128x64xf32, #tpu.memory_space<vmem>>
        %gather3A_465 = tpu.memref_squeeze %gather3A_464 : memref<1x128x64xf32, #tpu.memory_space<vmem>> -> memref<128x64xf32, #tpu.memory_space<vmem>>
        %gather3A_466 = tpu.vector_load_idx %gather3A_465[%add3A_462, %and3A_454] : memref<128x64xf32, #tpu.memory_space<vmem>>[vector<16xi32>, vector<16xi32>], vector<16xf32>,
        %scatter3A = arith.constant 0 : i32
        %scatter3A_467 = arith.constant 0 : i32
        %scatter3A_468 = arith.constant 0 : i32
        %scatter3A_469 = tpu.memref_slice %arg7[%scan3A_194, %scatter3A, %scatter3A_467, %scatter3A_468] : memref<5x8x8x128xf32, #tpu.memory_space<vmem>> -> memref<1x8x8x128xf32, #tpu.memory_space<vmem>>
        %scatter3A_470 = tpu.memref_squeeze %scatter3A_469 : memref<1x8x8x128xf32, #tpu.memory_space<vmem>> -> memref<8x8x128xf32, #tpu.memory_space<vmem>>
        tpu.vector_store_idx %scatter3A_470[%shift_right_arithmetic3A_456, %and3A_459, %add3A_462], %gather3A_466 : memref<8x8x128xf32, #tpu.memory_space<vmem>>[vector<16xi32>, vector<16xi32>, vector<16xi32>], vector<16xf32>,
        %add3A_471 = arith.constant 16 : i32
        %add3A_472 = vector.broadcast %add3A_471 : i32 to vector<16xi32>
        %add3A_473 = arith.addi %iota3A, %add3A_472 : vector<16xi32>
        %gather3A_474 = arith.constant 0 : i32
        %gather3A_475 = arith.constant 0 : i32
        %gather3A_476 = tpu.memref_slice %arg6[%scan3A_193, %gather3A_474, %gather3A_475] : memref<5x128x64xf32, #tpu.memory_space<vmem>> -> memref<1x128x64xf32, #tpu.memory_space<vmem>>
        %gather3A_477 = tpu.memref_squeeze %gather3A_476 : memref<1x128x64xf32, #tpu.memory_space<vmem>> -> memref<128x64xf32, #tpu.memory_space<vmem>>
        %gather3A_478 = tpu.vector_load_idx %gather3A_477[%add3A_473, %and3A_454] : memref<128x64xf32, #tpu.memory_space<vmem>>[vector<16xi32>, vector<16xi32>], vector<16xf32>,
        %scatter3A_479 = arith.constant 0 : i32
        %scatter3A_480 = arith.constant 0 : i32
        %scatter3A_481 = arith.constant 0 : i32
        %scatter3A_482 = tpu.memref_slice %arg7[%scan3A_194, %scatter3A_479, %scatter3A_480, %scatter3A_481] : memref<5x8x8x128xf32, #tpu.memory_space<vmem>> -> memref<1x8x8x128xf32, #tpu.memory_space<vmem>>
        %scatter3A_483 = tpu.memref_squeeze %scatter3A_482 : memref<1x8x8x128xf32, #tpu.memory_space<vmem>> -> memref<8x8x128xf32, #tpu.memory_space<vmem>>
        tpu.vector_store_idx %scatter3A_483[%shift_right_arithmetic3A_456, %and3A_459, %add3A_473], %gather3A_478 : memref<8x8x128xf32, #tpu.memory_space<vmem>>[vector<16xi32>, vector<16xi32>, vector<16xi32>], vector<16xf32>,
        %add3A_484 = arith.constant 32 : i32
        %add3A_485 = vector.broadcast %add3A_484 : i32 to vector<16xi32>
        %add3A_486 = arith.addi %iota3A, %add3A_485 : vector<16xi32>
        %gather3A_487 = arith.constant 0 : i32
        %gather3A_488 = arith.constant 0 : i32
        %gather3A_489 = tpu.memref_slice %arg6[%scan3A_193, %gather3A_487, %gather3A_488] : memref<5x128x64xf32, #tpu.memory_space<vmem>> -> memref<1x128x64xf32, #tpu.memory_space<vmem>>
        %gather3A_490 = tpu.memref_squeeze %gather3A_489 : memref<1x128x64xf32, #tpu.memory_space<vmem>> -> memref<128x64xf32, #tpu.memory_space<vmem>>
        %gather3A_491 = tpu.vector_load_idx %gather3A_490[%add3A_486, %and3A_454] : memref<128x64xf32, #tpu.memory_space<vmem>>[vector<16xi32>, vector<16xi32>], vector<16xf32>,
        %scatter3A_492 = arith.constant 0 : i32
        %scatter3A_493 = arith.constant 0 : i32
        %scatter3A_494 = arith.constant 0 : i32
        %scatter3A_495 = tpu.memref_slice %arg7[%scan3A_194, %scatter3A_492, %scatter3A_493, %scatter3A_494] : memref<5x8x8x128xf32, #tpu.memory_space<vmem>> -> memref<1x8x8x128xf32, #tpu.memory_space<vmem>>
        %scatter3A_496 = tpu.memref_squeeze %scatter3A_495 : memref<1x8x8x128xf32, #tpu.memory_space<vmem>> -> memref<8x8x128xf32, #tpu.memory_space<vmem>>
        tpu.vector_store_idx %scatter3A_496[%shift_right_arithmetic3A_456, %and3A_459, %add3A_486], %gather3A_491 : memref<8x8x128xf32, #tpu.memory_space<vmem>>[vector<16xi32>, vector<16xi32>, vector<16xi32>], vector<16xf32>,
        %add3A_497 = arith.constant 48 : i32
        %add3A_498 = vector.broadcast %add3A_497 : i32 to vector<16xi32>
        %add3A_499 = arith.addi %iota3A, %add3A_498 : vector<16xi32>
        %gather3A_500 = arith.constant 0 : i32
        %gather3A_501 = arith.constant 0 : i32
        %gather3A_502 = tpu.memref_slice %arg6[%scan3A_193, %gather3A_500, %gather3A_501] : memref<5x128x64xf32, #tpu.memory_space<vmem>> -> memref<1x128x64xf32, #tpu.memory_space<vmem>>
        %gather3A_503 = tpu.memref_squeeze %gather3A_502 : memref<1x128x64xf32, #tpu.memory_space<vmem>> -> memref<128x64xf32, #tpu.memory_space<vmem>>
        %gather3A_504 = tpu.vector_load_idx %gather3A_503[%add3A_499, %and3A_454] : memref<128x64xf32, #tpu.memory_space<vmem>>[vector<16xi32>, vector<16xi32>], vector<16xf32>,
        %scatter3A_505 = arith.constant 0 : i32
        %scatter3A_506 = arith.constant 0 : i32
        %scatter3A_507 = arith.constant 0 : i32
        %scatter3A_508 = tpu.memref_slice %arg7[%scan3A_194, %scatter3A_505, %scatter3A_506, %scatter3A_507] : memref<5x8x8x128xf32, #tpu.memory_space<vmem>> -> memref<1x8x8x128xf32, #tpu.memory_space<vmem>>
        %scatter3A_509 = tpu.memref_squeeze %scatter3A_508 : memref<1x8x8x128xf32, #tpu.memory_space<vmem>> -> memref<8x8x128xf32, #tpu.memory_space<vmem>>
        tpu.vector_store_idx %scatter3A_509[%shift_right_arithmetic3A_456, %and3A_459, %add3A_499], %gather3A_504 : memref<8x8x128xf32, #tpu.memory_space<vmem>>[vector<16xi32>, vector<16xi32>, vector<16xi32>], vector<16xf32>,
        %add3A_510 = arith.constant 64 : i32
        %add3A_511 = vector.broadcast %add3A_510 : i32 to vector<16xi32>
        %add3A_512 = arith.addi %iota3A, %add3A_511 : vector<16xi32>
        %gather3A_513 = arith.constant 0 : i32
        %gather3A_514 = arith.constant 0 : i32
        %gather3A_515 = tpu.memref_slice %arg6[%scan3A_193, %gather3A_513, %gather3A_514] : memref<5x128x64xf32, #tpu.memory_space<vmem>> -> memref<1x128x64xf32, #tpu.memory_space<vmem>>
        %gather3A_516 = tpu.memref_squeeze %gather3A_515 : memref<1x128x64xf32, #tpu.memory_space<vmem>> -> memref<128x64xf32, #tpu.memory_space<vmem>>
        %gather3A_517 = tpu.vector_load_idx %gather3A_516[%add3A_512, %and3A_454] : memref<128x64xf32, #tpu.memory_space<vmem>>[vector<16xi32>, vector<16xi32>], vector<16xf32>,
        %scatter3A_518 = arith.constant 0 : i32
        %scatter3A_519 = arith.constant 0 : i32
        %scatter3A_520 = arith.constant 0 : i32
        %scatter3A_521 = tpu.memref_slice %arg7[%scan3A_194, %scatter3A_518, %scatter3A_519, %scatter3A_520] : memref<5x8x8x128xf32, #tpu.memory_space<vmem>> -> memref<1x8x8x128xf32, #tpu.memory_space<vmem>>
        %scatter3A_522 = tpu.memref_squeeze %scatter3A_521 : memref<1x8x8x128xf32, #tpu.memory_space<vmem>> -> memref<8x8x128xf32, #tpu.memory_space<vmem>>
        tpu.vector_store_idx %scatter3A_522[%shift_right_arithmetic3A_456, %and3A_459, %add3A_512], %gather3A_517 : memref<8x8x128xf32, #tpu.memory_space<vmem>>[vector<16xi32>, vector<16xi32>, vector<16xi32>], vector<16xf32>,
        %add3A_523 = arith.constant 80 : i32
        %add3A_524 = vector.broadcast %add3A_523 : i32 to vector<16xi32>
        %add3A_525 = arith.addi %iota3A, %add3A_524 : vector<16xi32>
        %gather3A_526 = arith.constant 0 : i32
        %gather3A_527 = arith.constant 0 : i32
        %gather3A_528 = tpu.memref_slice %arg6[%scan3A_193, %gather3A_526, %gather3A_527] : memref<5x128x64xf32, #tpu.memory_space<vmem>> -> memref<1x128x64xf32, #tpu.memory_space<vmem>>
        %gather3A_529 = tpu.memref_squeeze %gather3A_528 : memref<1x128x64xf32, #tpu.memory_space<vmem>> -> memref<128x64xf32, #tpu.memory_space<vmem>>
        %gather3A_530 = tpu.vector_load_idx %gather3A_529[%add3A_525, %and3A_454] : memref<128x64xf32, #tpu.memory_space<vmem>>[vector<16xi32>, vector<16xi32>], vector<16xf32>,
        %scatter3A_531 = arith.constant 0 : i32
        %scatter3A_532 = arith.constant 0 : i32
        %scatter3A_533 = arith.constant 0 : i32
        %scatter3A_534 = tpu.memref_slice %arg7[%scan3A_194, %scatter3A_531, %scatter3A_532, %scatter3A_533] : memref<5x8x8x128xf32, #tpu.memory_space<vmem>> -> memref<1x8x8x128xf32, #tpu.memory_space<vmem>>
        %scatter3A_535 = tpu.memref_squeeze %scatter3A_534 : memref<1x8x8x128xf32, #tpu.memory_space<vmem>> -> memref<8x8x128xf32, #tpu.memory_space<vmem>>
        tpu.vector_store_idx %scatter3A_535[%shift_right_arithmetic3A_456, %and3A_459, %add3A_525], %gather3A_530 : memref<8x8x128xf32, #tpu.memory_space<vmem>>[vector<16xi32>, vector<16xi32>, vector<16xi32>], vector<16xf32>,
        %add3A_536 = arith.constant 96 : i32
        %add3A_537 = vector.broadcast %add3A_536 : i32 to vector<16xi32>
        %add3A_538 = arith.addi %iota3A, %add3A_537 : vector<16xi32>
        %gather3A_539 = arith.constant 0 : i32
        %gather3A_540 = arith.constant 0 : i32
        %gather3A_541 = tpu.memref_slice %arg6[%scan3A_193, %gather3A_539, %gather3A_540] : memref<5x128x64xf32, #tpu.memory_space<vmem>> -> memref<1x128x64xf32, #tpu.memory_space<vmem>>
        %gather3A_542 = tpu.memref_squeeze %gather3A_541 : memref<1x128x64xf32, #tpu.memory_space<vmem>> -> memref<128x64xf32, #tpu.memory_space<vmem>>
        %gather3A_543 = tpu.vector_load_idx %gather3A_542[%add3A_538, %and3A_454] : memref<128x64xf32, #tpu.memory_space<vmem>>[vector<16xi32>, vector<16xi32>], vector<16xf32>,
        %scatter3A_544 = arith.constant 0 : i32
        %scatter3A_545 = arith.constant 0 : i32
        %scatter3A_546 = arith.constant 0 : i32
        %scatter3A_547 = tpu.memref_slice %arg7[%scan3A_194, %scatter3A_544, %scatter3A_545, %scatter3A_546] : memref<5x8x8x128xf32, #tpu.memory_space<vmem>> -> memref<1x8x8x128xf32, #tpu.memory_space<vmem>>
        %scatter3A_548 = tpu.memref_squeeze %scatter3A_547 : memref<1x8x8x128xf32, #tpu.memory_space<vmem>> -> memref<8x8x128xf32, #tpu.memory_space<vmem>>
        tpu.vector_store_idx %scatter3A_548[%shift_right_arithmetic3A_456, %and3A_459, %add3A_538], %gather3A_543 : memref<8x8x128xf32, #tpu.memory_space<vmem>>[vector<16xi32>, vector<16xi32>, vector<16xi32>], vector<16xf32>,
        %add3A_549 = arith.constant 112 : i32
        %add3A_550 = vector.broadcast %add3A_549 : i32 to vector<16xi32>
        %add3A_551 = arith.addi %iota3A, %add3A_550 : vector<16xi32>
        %gather3A_552 = arith.constant 0 : i32
        %gather3A_553 = arith.constant 0 : i32
        %gather3A_554 = tpu.memref_slice %arg6[%scan3A_193, %gather3A_552, %gather3A_553] : memref<5x128x64xf32, #tpu.memory_space<vmem>> -> memref<1x128x64xf32, #tpu.memory_space<vmem>>
        %gather3A_555 = tpu.memref_squeeze %gather3A_554 : memref<1x128x64xf32, #tpu.memory_space<vmem>> -> memref<128x64xf32, #tpu.memory_space<vmem>>
        %gather3A_556 = tpu.vector_load_idx %gather3A_555[%add3A_551, %and3A_454] : memref<128x64xf32, #tpu.memory_space<vmem>>[vector<16xi32>, vector<16xi32>], vector<16xf32>,
        %scatter3A_557 = arith.constant 0 : i32
        %scatter3A_558 = arith.constant 0 : i32
        %scatter3A_559 = arith.constant 0 : i32
        %scatter3A_560 = tpu.memref_slice %arg7[%scan3A_194, %scatter3A_557, %scatter3A_558, %scatter3A_559] : memref<5x8x8x128xf32, #tpu.memory_space<vmem>> -> memref<1x8x8x128xf32, #tpu.memory_space<vmem>>
        %scatter3A_561 = tpu.memref_squeeze %scatter3A_560 : memref<1x8x8x128xf32, #tpu.memory_space<vmem>> -> memref<8x8x128xf32, #tpu.memory_space<vmem>>
        tpu.vector_store_idx %scatter3A_561[%shift_right_arithmetic3A_456, %and3A_459, %add3A_551], %gather3A_556 : memref<8x8x128xf32, #tpu.memory_space<vmem>>[vector<16xi32>, vector<16xi32>, vector<16xi32>], vector<16xf32>,
      }
      %scan3A_199 = arith.constant 64 : i32
      %add3A_200 = arith.addi %mul3A_2, %add3A_178 : i32
      %dma_start3A_201 = arith.constant 0 : i32
      %dma_start3A_202 = arith.constant 0 : i32
      %dma_start3A_203 = arith.constant 0 : i32
      %dma_start3A_204 = arith.constant 0 : i32
      %dma_start3A_205 = tpu.memref_slice %arg7[%dma_start3A_201, %dma_start3A_202, %dma_start3A_203, %dma_start3A_204] : memref<5x8x8x128xf32, #tpu.memory_space<vmem>> -> memref<1x8x8x128xf32, #tpu.memory_space<vmem>>
      %dma_start3A_206 = tpu.memref_squeeze %dma_start3A_205 : memref<1x8x8x128xf32, #tpu.memory_space<vmem>> -> memref<8x8x128xf32, #tpu.memory_space<vmem>>
      %dma_start3A_207 = arith.constant 0 : i32
      %dma_start3A_208 = arith.constant 0 : i32
      %dma_start3A_209 = arith.constant 0 : i32
      %dma_start3A_210 = tpu.memref_slice %arg4[%dma_start3A_207, %add3A_200, %dma_start3A_208, %dma_start3A_209] : memref<8x2560x8x128xf32, #tpu.memory_space<hbm>> -> memref<8x1x8x128xf32, #tpu.memory_space<hbm>>
      %dma_start3A_211 = tpu.memref_squeeze %dma_start3A_210 : memref<8x1x8x128xf32, #tpu.memory_space<hbm>> -> memref<8x8x128xf32, #tpu.memory_space<hbm>>
      %dma_start3A_212 = arith.constant 0 : i32
      %dma_start3A_213 = arith.constant 0 : i32
      %dma_start3A_214 = arith.constant 0 : i32
      %dma_start3A_215 = tpu.memref_slice %arg4[%dma_start3A_212, %add3A_200, %dma_start3A_213, %dma_start3A_214] : memref<8x2560x8x128xf32, #tpu.memory_space<hbm>> -> memref<8x1x8x128xf32, #tpu.memory_space<hbm>>
      %dma_start3A_216 = tpu.memref_squeeze %dma_start3A_215 : memref<8x1x8x128xf32, #tpu.memory_space<hbm>> -> memref<8x8x128xf32, #tpu.memory_space<hbm>>
      %dma_start3A_217 = arith.constant 0 : i32
      %dma_start3A_218 = arith.constant 0 : i32
      %dma_start3A_219 = arith.constant 0 : i32
      %dma_start3A_220 = tpu.memref_slice %arg7[%dma_start3A_201, %dma_start3A_217, %dma_start3A_218, %dma_start3A_219] : memref<5x8x8x128xf32, #tpu.memory_space<vmem>> -> memref<1x8x8x128xf32, #tpu.memory_space<vmem>>
      %dma_start3A_221 = tpu.memref_squeeze %dma_start3A_220 : memref<1x8x8x128xf32, #tpu.memory_space<vmem>> -> memref<8x8x128xf32, #tpu.memory_space<vmem>>
      tpu.enqueue_dma source(%dma_start3A_221 : memref<8x8x128xf32, #tpu.memory_space<vmem>>) target(%dma_start3A_216 : memref<8x8x128xf32, #tpu.memory_space<hbm>>) target_semaphore(%arg13 : memref<!tpu.dma_semaphore, #tpu.memory_space<semaphore_mem>>)
      %lt3A = arith.constant 15 : i32
      %lt3A_222 = arith.cmpi slt, %add3A_174, %lt3A : i32
      %convert_element_type3A_223 = arith.extui %lt3A_222 : i1 to i32
      %cond3A_224 = arith.constant 0 : i32
      %cond3A_225 = arith.cmpi ne, %convert_element_type3A_223, %cond3A_224 : i32
      scf.if %cond3A_225 {
        %add3A_446 = arith.constant 5 : i32
        %add3A_447 = arith.addi %add3A_178, %add3A_446 : i32
        %dma_start3A_448 = arith.constant 0 : i32
        %dma_start3A_449 = arith.constant 0 : i32
        %dma_start3A_450 = arith.constant 0 : i32
        %dma_start3A_451 = tpu.memref_slice %arg6[%dma_start3A_448, %dma_start3A_449, %dma_start3A_450] : memref<5x128x64xf32, #tpu.memory_space<vmem>> -> memref<1x128x64xf32, #tpu.memory_space<vmem>>
        %dma_start3A_452 = tpu.memref_squeeze %dma_start3A_451 : memref<1x128x64xf32, #tpu.memory_space<vmem>> -> memref<128x64xf32, #tpu.memory_space<vmem>>
        %dma_start3A_453 = arith.constant 0 : i32
        %dma_start3A_454 = tpu.memref_slice %arg5[%add3A_447, %dma_start3A_453] : memref<80x128xi32, #tpu.memory_space<vmem>> -> memref<1x128xi32, #tpu.memory_space<vmem>>
        %dma_start3A_455 = tpu.memref_squeeze %dma_start3A_454 : memref<1x128xi32, #tpu.memory_space<vmem>> -> memref<128xi32, #tpu.memory_space<vmem>>
        %dma_start3A_456 = arith.constant 0 : i32
        %dma_start3A_457 = arith.constant 0 : i32
        %dma_start3A_458 = tpu.memref_slice %arg3[%dma_start3A_456, %dma_start3A_457] : memref<1007616x64xf32, #tpu.memory_space<hbm>> -> memref<1007616x64xf32, #tpu.memory_space<hbm>>
        tpu.enqueue_indirect_dma source(%dma_start3A_458 : memref<1007616x64xf32, #tpu.memory_space<hbm>>) target(%dma_start3A_452 : memref<128x64xf32, #tpu.memory_space<vmem>>) offsets(%dma_start3A_455 : memref<128xi32, #tpu.memory_space<vmem>>) semaphore(%arg8 : memref<!tpu.dma_semaphore, #tpu.memory_space<semaphore_mem>>)
      } else {
      }
      %mul3A_226 = arith.constant 5 : i32
      %mul3A_227 = arith.muli %add3A_174, %mul3A_226 : i32
      %add3A_228 = arith.constant 1 : i32
      %add3A_229 = arith.addi %mul3A_227, %add3A_228 : i32
      %dma_wait3A_230 = arith.constant 0 : i32
      %dma_wait3A_231 = arith.constant 1 : i32
      %dma_wait3A_232 = arith.constant 0 : i32
      %dma_wait3A_233 = arith.constant 0 : i32
      %dma_wait3A_234 = tpu.memref_slice %arg6[%dma_wait3A_231, %dma_wait3A_232, %dma_wait3A_233] : memref<5x128x64xf32, #tpu.memory_space<vmem>> -> memref<1x128x64xf32, #tpu.memory_space<vmem>>
      %dma_wait3A_235 = tpu.memref_squeeze %dma_wait3A_234 : memref<1x128x64xf32, #tpu.memory_space<vmem>> -> memref<128x64xf32, #tpu.memory_space<vmem>>
      %dma_wait3A_236 = arith.constant 0 : i32
      %dma_wait3A_237 = tpu.memref_slice %arg5[%dma_wait3A_230, %dma_wait3A_236] : memref<80x128xi32, #tpu.memory_space<vmem>> -> memref<1x128xi32, #tpu.memory_space<vmem>>
      %dma_wait3A_238 = tpu.memref_squeeze %dma_wait3A_237 : memref<1x128xi32, #tpu.memory_space<vmem>> -> memref<128xi32, #tpu.memory_space<vmem>>
      %dma_wait3A_239 = arith.constant 0 : i32
      %dma_wait3A_240 = arith.constant 0 : i32
      %dma_wait3A_241 = tpu.memref_slice %arg3[%dma_wait3A_239, %dma_wait3A_240] : memref<1007616x64xf32, #tpu.memory_space<hbm>> -> memref<1007616x64xf32, #tpu.memory_space<hbm>>
      tpu.wait_indirect_dma semaphore(%arg9 : memref<!tpu.dma_semaphore, #tpu.memory_space<semaphore_mem>>) src(%dma_wait3A_241 : memref<1007616x64xf32, #tpu.memory_space<hbm>>) dst(%dma_wait3A_235 : memref<128x64xf32, #tpu.memory_space<vmem>>)
      %gt3A_242 = arith.constant 0 : i32
      %gt3A_243 = arith.cmpi sgt, %add3A_174, %gt3A_242 : i32
      %convert_element_type3A_244 = arith.extui %gt3A_243 : i1 to i32
      %cond3A_245 = arith.constant 0 : i32
      %cond3A_246 = arith.cmpi ne, %convert_element_type3A_244, %cond3A_245 : i32
      scf.if %cond3A_246 {
        %dma_wait3A_446 = arith.constant 1 : i32
        %dma_wait3A_447 = arith.constant 0 : i32
        %dma_wait3A_448 = arith.constant 0 : i32
        %dma_wait3A_449 = arith.constant 0 : i32
        %dma_wait3A_450 = tpu.memref_slice %arg7[%dma_wait3A_446, %dma_wait3A_447, %dma_wait3A_448, %dma_wait3A_449] : memref<5x8x8x128xf32, #tpu.memory_space<vmem>> -> memref<1x8x8x128xf32, #tpu.memory_space<vmem>>
        %dma_wait3A_451 = tpu.memref_squeeze %dma_wait3A_450 : memref<1x8x8x128xf32, #tpu.memory_space<vmem>> -> memref<8x8x128xf32, #tpu.memory_space<vmem>>
        %dma_wait3A_452 = arith.constant 0 : i32
        %dma_wait3A_453 = arith.constant 0 : i32
        %dma_wait3A_454 = arith.constant 0 : i32
        %dma_wait3A_455 = tpu.memref_slice %arg4[%dma_wait3A_452, %mul3A_2, %dma_wait3A_453, %dma_wait3A_454] : memref<8x2560x8x128xf32, #tpu.memory_space<hbm>> -> memref<8x1x8x128xf32, #tpu.memory_space<hbm>>
        %dma_wait3A_456 = tpu.memref_squeeze %dma_wait3A_455 : memref<8x1x8x128xf32, #tpu.memory_space<hbm>> -> memref<8x8x128xf32, #tpu.memory_space<hbm>>
        %dma_wait3A_457 = arith.constant 0 : i32
        %dma_wait3A_458 = arith.constant 0 : i32
        %dma_wait3A_459 = arith.constant 0 : i32
        %dma_wait3A_460 = tpu.memref_slice %arg4[%dma_wait3A_457, %mul3A_2, %dma_wait3A_458, %dma_wait3A_459] : memref<8x2560x8x128xf32, #tpu.memory_space<hbm>> -> memref<8x1x8x128xf32, #tpu.memory_space<hbm>>
        %dma_wait3A_461 = tpu.memref_squeeze %dma_wait3A_460 : memref<8x1x8x128xf32, #tpu.memory_space<hbm>> -> memref<8x8x128xf32, #tpu.memory_space<hbm>>
        %dma_wait3A_462 = arith.constant 0 : i32
        %dma_wait3A_463 = arith.constant 0 : i32
        %dma_wait3A_464 = arith.constant 0 : i32
        %dma_wait3A_465 = tpu.memref_slice %arg7[%dma_wait3A_446, %dma_wait3A_462, %dma_wait3A_463, %dma_wait3A_464] : memref<5x8x8x128xf32, #tpu.memory_space<vmem>> -> memref<1x8x8x128xf32, #tpu.memory_space<vmem>>
        %dma_wait3A_466 = tpu.memref_squeeze %dma_wait3A_465 : memref<1x8x8x128xf32, #tpu.memory_space<vmem>> -> memref<8x8x128xf32, #tpu.memory_space<vmem>>
        tpu.wait_dma2 semaphore(%arg14 : memref<!tpu.dma_semaphore, #tpu.memory_space<semaphore_mem>>) src(%dma_wait3A_466 : memref<8x8x128xf32, #tpu.memory_space<vmem>>) dst(%dma_wait3A_461 : memref<8x8x128xf32, #tpu.memory_space<hbm>>)
      } else {
      }
      %scan3A_247 = arith.constant 1 : i32
      %scan3A_248 = arith.constant 1 : i32
      %scan3A_249 = arith.constant 0 : i32
      %scan3A_250 = arith.constant 64 : i32
      %scan3A_251 = arith.addi %scan3A_249, %scan3A_250 : i32
      %scan3A_252 = arith.constant 1 : i32
      scf.for %scan3A_446 = %scan3A_249 to %scan3A_251 step %scan3A_252  : i32 {
        %mul3A_447 = arith.constant 1 : i32
        %mul3A_448 = arith.muli %scan3A_446, %mul3A_447 : i32
        %add3A_449 = arith.constant 0 : i32
        %add3A_450 = arith.addi %add3A_449, %mul3A_448 : i32
        %add3A_451 = vector.broadcast %add3A_450 : i32 to vector<16xi32>
        %add3A_452 = arith.addi %add3A_451, %iota3A : vector<16xi32>
        %and3A = arith.constant 63 : i32
        %and3A_453 = vector.broadcast %and3A : i32 to vector<16xi32>
        %and3A_454 = arith.andi %add3A_452, %and3A_453 : vector<16xi32>
        %shift_right_arithmetic3A = arith.constant 3 : i32
        %shift_right_arithmetic3A_455 = vector.broadcast %shift_right_arithmetic3A : i32 to vector<16xi32>
        %shift_right_arithmetic3A_456 = arith.shrsi %and3A_454, %shift_right_arithmetic3A_455 : vector<16xi32>
        %and3A_457 = arith.constant 7 : i32
        %and3A_458 = vector.broadcast %and3A_457 : i32 to vector<16xi32>
        %and3A_459 = arith.andi %and3A_454, %and3A_458 : vector<16xi32>
        %add3A_460 = arith.constant 0 : i32
        %add3A_461 = vector.broadcast %add3A_460 : i32 to vector<16xi32>
        %add3A_462 = arith.addi %iota3A, %add3A_461 : vector<16xi32>
        %gather3A = arith.constant 0 : i32
        %gather3A_463 = arith.constant 0 : i32
        %gather3A_464 = tpu.memref_slice %arg6[%scan3A_247, %gather3A, %gather3A_463] : memref<5x128x64xf32, #tpu.memory_space<vmem>> -> memref<1x128x64xf32, #tpu.memory_space<vmem>>
        %gather3A_465 = tpu.memref_squeeze %gather3A_464 : memref<1x128x64xf32, #tpu.memory_space<vmem>> -> memref<128x64xf32, #tpu.memory_space<vmem>>
        %gather3A_466 = tpu.vector_load_idx %gather3A_465[%add3A_462, %and3A_454] : memref<128x64xf32, #tpu.memory_space<vmem>>[vector<16xi32>, vector<16xi32>], vector<16xf32>,
        %scatter3A = arith.constant 0 : i32
        %scatter3A_467 = arith.constant 0 : i32
        %scatter3A_468 = arith.constant 0 : i32
        %scatter3A_469 = tpu.memref_slice %arg7[%scan3A_248, %scatter3A, %scatter3A_467, %scatter3A_468] : memref<5x8x8x128xf32, #tpu.memory_space<vmem>> -> memref<1x8x8x128xf32, #tpu.memory_space<vmem>>
        %scatter3A_470 = tpu.memref_squeeze %scatter3A_469 : memref<1x8x8x128xf32, #tpu.memory_space<vmem>> -> memref<8x8x128xf32, #tpu.memory_space<vmem>>
        tpu.vector_store_idx %scatter3A_470[%shift_right_arithmetic3A_456, %and3A_459, %add3A_462], %gather3A_466 : memref<8x8x128xf32, #tpu.memory_space<vmem>>[vector<16xi32>, vector<16xi32>, vector<16xi32>], vector<16xf32>,
        %add3A_471 = arith.constant 16 : i32
        %add3A_472 = vector.broadcast %add3A_471 : i32 to vector<16xi32>
        %add3A_473 = arith.addi %iota3A, %add3A_472 : vector<16xi32>
        %gather3A_474 = arith.constant 0 : i32
        %gather3A_475 = arith.constant 0 : i32
        %gather3A_476 = tpu.memref_slice %arg6[%scan3A_247, %gather3A_474, %gather3A_475] : memref<5x128x64xf32, #tpu.memory_space<vmem>> -> memref<1x128x64xf32, #tpu.memory_space<vmem>>
        %gather3A_477 = tpu.memref_squeeze %gather3A_476 : memref<1x128x64xf32, #tpu.memory_space<vmem>> -> memref<128x64xf32, #tpu.memory_space<vmem>>
        %gather3A_478 = tpu.vector_load_idx %gather3A_477[%add3A_473, %and3A_454] : memref<128x64xf32, #tpu.memory_space<vmem>>[vector<16xi32>, vector<16xi32>], vector<16xf32>,
        %scatter3A_479 = arith.constant 0 : i32
        %scatter3A_480 = arith.constant 0 : i32
        %scatter3A_481 = arith.constant 0 : i32
        %scatter3A_482 = tpu.memref_slice %arg7[%scan3A_248, %scatter3A_479, %scatter3A_480, %scatter3A_481] : memref<5x8x8x128xf32, #tpu.memory_space<vmem>> -> memref<1x8x8x128xf32, #tpu.memory_space<vmem>>
        %scatter3A_483 = tpu.memref_squeeze %scatter3A_482 : memref<1x8x8x128xf32, #tpu.memory_space<vmem>> -> memref<8x8x128xf32, #tpu.memory_space<vmem>>
        tpu.vector_store_idx %scatter3A_483[%shift_right_arithmetic3A_456, %and3A_459, %add3A_473], %gather3A_478 : memref<8x8x128xf32, #tpu.memory_space<vmem>>[vector<16xi32>, vector<16xi32>, vector<16xi32>], vector<16xf32>,
        %add3A_484 = arith.constant 32 : i32
        %add3A_485 = vector.broadcast %add3A_484 : i32 to vector<16xi32>
        %add3A_486 = arith.addi %iota3A, %add3A_485 : vector<16xi32>
        %gather3A_487 = arith.constant 0 : i32
        %gather3A_488 = arith.constant 0 : i32
        %gather3A_489 = tpu.memref_slice %arg6[%scan3A_247, %gather3A_487, %gather3A_488] : memref<5x128x64xf32, #tpu.memory_space<vmem>> -> memref<1x128x64xf32, #tpu.memory_space<vmem>>
        %gather3A_490 = tpu.memref_squeeze %gather3A_489 : memref<1x128x64xf32, #tpu.memory_space<vmem>> -> memref<128x64xf32, #tpu.memory_space<vmem>>
        %gather3A_491 = tpu.vector_load_idx %gather3A_490[%add3A_486, %and3A_454] : memref<128x64xf32, #tpu.memory_space<vmem>>[vector<16xi32>, vector<16xi32>], vector<16xf32>,
        %scatter3A_492 = arith.constant 0 : i32
        %scatter3A_493 = arith.constant 0 : i32
        %scatter3A_494 = arith.constant 0 : i32
        %scatter3A_495 = tpu.memref_slice %arg7[%scan3A_248, %scatter3A_492, %scatter3A_493, %scatter3A_494] : memref<5x8x8x128xf32, #tpu.memory_space<vmem>> -> memref<1x8x8x128xf32, #tpu.memory_space<vmem>>
        %scatter3A_496 = tpu.memref_squeeze %scatter3A_495 : memref<1x8x8x128xf32, #tpu.memory_space<vmem>> -> memref<8x8x128xf32, #tpu.memory_space<vmem>>
        tpu.vector_store_idx %scatter3A_496[%shift_right_arithmetic3A_456, %and3A_459, %add3A_486], %gather3A_491 : memref<8x8x128xf32, #tpu.memory_space<vmem>>[vector<16xi32>, vector<16xi32>, vector<16xi32>], vector<16xf32>,
        %add3A_497 = arith.constant 48 : i32
        %add3A_498 = vector.broadcast %add3A_497 : i32 to vector<16xi32>
        %add3A_499 = arith.addi %iota3A, %add3A_498 : vector<16xi32>
        %gather3A_500 = arith.constant 0 : i32
        %gather3A_501 = arith.constant 0 : i32
        %gather3A_502 = tpu.memref_slice %arg6[%scan3A_247, %gather3A_500, %gather3A_501] : memref<5x128x64xf32, #tpu.memory_space<vmem>> -> memref<1x128x64xf32, #tpu.memory_space<vmem>>
        %gather3A_503 = tpu.memref_squeeze %gather3A_502 : memref<1x128x64xf32, #tpu.memory_space<vmem>> -> memref<128x64xf32, #tpu.memory_space<vmem>>
        %gather3A_504 = tpu.vector_load_idx %gather3A_503[%add3A_499, %and3A_454] : memref<128x64xf32, #tpu.memory_space<vmem>>[vector<16xi32>, vector<16xi32>], vector<16xf32>,
        %scatter3A_505 = arith.constant 0 : i32
        %scatter3A_506 = arith.constant 0 : i32
        %scatter3A_507 = arith.constant 0 : i32
        %scatter3A_508 = tpu.memref_slice %arg7[%scan3A_248, %scatter3A_505, %scatter3A_506, %scatter3A_507] : memref<5x8x8x128xf32, #tpu.memory_space<vmem>> -> memref<1x8x8x128xf32, #tpu.memory_space<vmem>>
        %scatter3A_509 = tpu.memref_squeeze %scatter3A_508 : memref<1x8x8x128xf32, #tpu.memory_space<vmem>> -> memref<8x8x128xf32, #tpu.memory_space<vmem>>
        tpu.vector_store_idx %scatter3A_509[%shift_right_arithmetic3A_456, %and3A_459, %add3A_499], %gather3A_504 : memref<8x8x128xf32, #tpu.memory_space<vmem>>[vector<16xi32>, vector<16xi32>, vector<16xi32>], vector<16xf32>,
        %add3A_510 = arith.constant 64 : i32
        %add3A_511 = vector.broadcast %add3A_510 : i32 to vector<16xi32>
        %add3A_512 = arith.addi %iota3A, %add3A_511 : vector<16xi32>
        %gather3A_513 = arith.constant 0 : i32
        %gather3A_514 = arith.constant 0 : i32
        %gather3A_515 = tpu.memref_slice %arg6[%scan3A_247, %gather3A_513, %gather3A_514] : memref<5x128x64xf32, #tpu.memory_space<vmem>> -> memref<1x128x64xf32, #tpu.memory_space<vmem>>
        %gather3A_516 = tpu.memref_squeeze %gather3A_515 : memref<1x128x64xf32, #tpu.memory_space<vmem>> -> memref<128x64xf32, #tpu.memory_space<vmem>>
        %gather3A_517 = tpu.vector_load_idx %gather3A_516[%add3A_512, %and3A_454] : memref<128x64xf32, #tpu.memory_space<vmem>>[vector<16xi32>, vector<16xi32>], vector<16xf32>,
        %scatter3A_518 = arith.constant 0 : i32
        %scatter3A_519 = arith.constant 0 : i32
        %scatter3A_520 = arith.constant 0 : i32
        %scatter3A_521 = tpu.memref_slice %arg7[%scan3A_248, %scatter3A_518, %scatter3A_519, %scatter3A_520] : memref<5x8x8x128xf32, #tpu.memory_space<vmem>> -> memref<1x8x8x128xf32, #tpu.memory_space<vmem>>
        %scatter3A_522 = tpu.memref_squeeze %scatter3A_521 : memref<1x8x8x128xf32, #tpu.memory_space<vmem>> -> memref<8x8x128xf32, #tpu.memory_space<vmem>>
        tpu.vector_store_idx %scatter3A_522[%shift_right_arithmetic3A_456, %and3A_459, %add3A_512], %gather3A_517 : memref<8x8x128xf32, #tpu.memory_space<vmem>>[vector<16xi32>, vector<16xi32>, vector<16xi32>], vector<16xf32>,
        %add3A_523 = arith.constant 80 : i32
        %add3A_524 = vector.broadcast %add3A_523 : i32 to vector<16xi32>
        %add3A_525 = arith.addi %iota3A, %add3A_524 : vector<16xi32>
        %gather3A_526 = arith.constant 0 : i32
        %gather3A_527 = arith.constant 0 : i32
        %gather3A_528 = tpu.memref_slice %arg6[%scan3A_247, %gather3A_526, %gather3A_527] : memref<5x128x64xf32, #tpu.memory_space<vmem>> -> memref<1x128x64xf32, #tpu.memory_space<vmem>>
        %gather3A_529 = tpu.memref_squeeze %gather3A_528 : memref<1x128x64xf32, #tpu.memory_space<vmem>> -> memref<128x64xf32, #tpu.memory_space<vmem>>
        %gather3A_530 = tpu.vector_load_idx %gather3A_529[%add3A_525, %and3A_454] : memref<128x64xf32, #tpu.memory_space<vmem>>[vector<16xi32>, vector<16xi32>], vector<16xf32>,
        %scatter3A_531 = arith.constant 0 : i32
        %scatter3A_532 = arith.constant 0 : i32
        %scatter3A_533 = arith.constant 0 : i32
        %scatter3A_534 = tpu.memref_slice %arg7[%scan3A_248, %scatter3A_531, %scatter3A_532, %scatter3A_533] : memref<5x8x8x128xf32, #tpu.memory_space<vmem>> -> memref<1x8x8x128xf32, #tpu.memory_space<vmem>>
        %scatter3A_535 = tpu.memref_squeeze %scatter3A_534 : memref<1x8x8x128xf32, #tpu.memory_space<vmem>> -> memref<8x8x128xf32, #tpu.memory_space<vmem>>
        tpu.vector_store_idx %scatter3A_535[%shift_right_arithmetic3A_456, %and3A_459, %add3A_525], %gather3A_530 : memref<8x8x128xf32, #tpu.memory_space<vmem>>[vector<16xi32>, vector<16xi32>, vector<16xi32>], vector<16xf32>,
        %add3A_536 = arith.constant 96 : i32
        %add3A_537 = vector.broadcast %add3A_536 : i32 to vector<16xi32>
        %add3A_538 = arith.addi %iota3A, %add3A_537 : vector<16xi32>
        %gather3A_539 = arith.constant 0 : i32
        %gather3A_540 = arith.constant 0 : i32
        %gather3A_541 = tpu.memref_slice %arg6[%scan3A_247, %gather3A_539, %gather3A_540] : memref<5x128x64xf32, #tpu.memory_space<vmem>> -> memref<1x128x64xf32, #tpu.memory_space<vmem>>
        %gather3A_542 = tpu.memref_squeeze %gather3A_541 : memref<1x128x64xf32, #tpu.memory_space<vmem>> -> memref<128x64xf32, #tpu.memory_space<vmem>>
        %gather3A_543 = tpu.vector_load_idx %gather3A_542[%add3A_538, %and3A_454] : memref<128x64xf32, #tpu.memory_space<vmem>>[vector<16xi32>, vector<16xi32>], vector<16xf32>,
        %scatter3A_544 = arith.constant 0 : i32
        %scatter3A_545 = arith.constant 0 : i32
        %scatter3A_546 = arith.constant 0 : i32
        %scatter3A_547 = tpu.memref_slice %arg7[%scan3A_248, %scatter3A_544, %scatter3A_545, %scatter3A_546] : memref<5x8x8x128xf32, #tpu.memory_space<vmem>> -> memref<1x8x8x128xf32, #tpu.memory_space<vmem>>
        %scatter3A_548 = tpu.memref_squeeze %scatter3A_547 : memref<1x8x8x128xf32, #tpu.memory_space<vmem>> -> memref<8x8x128xf32, #tpu.memory_space<vmem>>
        tpu.vector_store_idx %scatter3A_548[%shift_right_arithmetic3A_456, %and3A_459, %add3A_538], %gather3A_543 : memref<8x8x128xf32, #tpu.memory_space<vmem>>[vector<16xi32>, vector<16xi32>, vector<16xi32>], vector<16xf32>,
        %add3A_549 = arith.constant 112 : i32
        %add3A_550 = vector.broadcast %add3A_549 : i32 to vector<16xi32>
        %add3A_551 = arith.addi %iota3A, %add3A_550 : vector<16xi32>
        %gather3A_552 = arith.constant 0 : i32
        %gather3A_553 = arith.constant 0 : i32
        %gather3A_554 = tpu.memref_slice %arg6[%scan3A_247, %gather3A_552, %gather3A_553] : memref<5x128x64xf32, #tpu.memory_space<vmem>> -> memref<1x128x64xf32, #tpu.memory_space<vmem>>
        %gather3A_555 = tpu.memref_squeeze %gather3A_554 : memref<1x128x64xf32, #tpu.memory_space<vmem>> -> memref<128x64xf32, #tpu.memory_space<vmem>>
        %gather3A_556 = tpu.vector_load_idx %gather3A_555[%add3A_551, %and3A_454] : memref<128x64xf32, #tpu.memory_space<vmem>>[vector<16xi32>, vector<16xi32>], vector<16xf32>,
        %scatter3A_557 = arith.constant 0 : i32
        %scatter3A_558 = arith.constant 0 : i32
        %scatter3A_559 = arith.constant 0 : i32
        %scatter3A_560 = tpu.memref_slice %arg7[%scan3A_248, %scatter3A_557, %scatter3A_558, %scatter3A_559] : memref<5x8x8x128xf32, #tpu.memory_space<vmem>> -> memref<1x8x8x128xf32, #tpu.memory_space<vmem>>
        %scatter3A_561 = tpu.memref_squeeze %scatter3A_560 : memref<1x8x8x128xf32, #tpu.memory_space<vmem>> -> memref<8x8x128xf32, #tpu.memory_space<vmem>>
        tpu.vector_store_idx %scatter3A_561[%shift_right_arithmetic3A_456, %and3A_459, %add3A_551], %gather3A_556 : memref<8x8x128xf32, #tpu.memory_space<vmem>>[vector<16xi32>, vector<16xi32>, vector<16xi32>], vector<16xf32>,
      }
      %scan3A_253 = arith.constant 64 : i32
      %add3A_254 = arith.addi %mul3A_2, %add3A_229 : i32
      %dma_start3A_255 = arith.constant 1 : i32
      %dma_start3A_256 = arith.constant 0 : i32
      %dma_start3A_257 = arith.constant 0 : i32
      %dma_start3A_258 = arith.constant 0 : i32
      %dma_start3A_259 = tpu.memref_slice %arg7[%dma_start3A_255, %dma_start3A_256, %dma_start3A_257, %dma_start3A_258] : memref<5x8x8x128xf32, #tpu.memory_space<vmem>> -> memref<1x8x8x128xf32, #tpu.memory_space<vmem>>
      %dma_start3A_260 = tpu.memref_squeeze %dma_start3A_259 : memref<1x8x8x128xf32, #tpu.memory_space<vmem>> -> memref<8x8x128xf32, #tpu.memory_space<vmem>>
      %dma_start3A_261 = arith.constant 0 : i32
      %dma_start3A_262 = arith.constant 0 : i32
      %dma_start3A_263 = arith.constant 0 : i32
      %dma_start3A_264 = tpu.memref_slice %arg4[%dma_start3A_261, %add3A_254, %dma_start3A_262, %dma_start3A_263] : memref<8x2560x8x128xf32, #tpu.memory_space<hbm>> -> memref<8x1x8x128xf32, #tpu.memory_space<hbm>>
      %dma_start3A_265 = tpu.memref_squeeze %dma_start3A_264 : memref<8x1x8x128xf32, #tpu.memory_space<hbm>> -> memref<8x8x128xf32, #tpu.memory_space<hbm>>
      %dma_start3A_266 = arith.constant 0 : i32
      %dma_start3A_267 = arith.constant 0 : i32
      %dma_start3A_268 = arith.constant 0 : i32
      %dma_start3A_269 = tpu.memref_slice %arg4[%dma_start3A_266, %add3A_254, %dma_start3A_267, %dma_start3A_268] : memref<8x2560x8x128xf32, #tpu.memory_space<hbm>> -> memref<8x1x8x128xf32, #tpu.memory_space<hbm>>
      %dma_start3A_270 = tpu.memref_squeeze %dma_start3A_269 : memref<8x1x8x128xf32, #tpu.memory_space<hbm>> -> memref<8x8x128xf32, #tpu.memory_space<hbm>>
      %dma_start3A_271 = arith.constant 0 : i32
      %dma_start3A_272 = arith.constant 0 : i32
      %dma_start3A_273 = arith.constant 0 : i32
      %dma_start3A_274 = tpu.memref_slice %arg7[%dma_start3A_255, %dma_start3A_271, %dma_start3A_272, %dma_start3A_273] : memref<5x8x8x128xf32, #tpu.memory_space<vmem>> -> memref<1x8x8x128xf32, #tpu.memory_space<vmem>>
      %dma_start3A_275 = tpu.memref_squeeze %dma_start3A_274 : memref<1x8x8x128xf32, #tpu.memory_space<vmem>> -> memref<8x8x128xf32, #tpu.memory_space<vmem>>
      tpu.enqueue_dma source(%dma_start3A_275 : memref<8x8x128xf32, #tpu.memory_space<vmem>>) target(%dma_start3A_270 : memref<8x8x128xf32, #tpu.memory_space<hbm>>) target_semaphore(%arg14 : memref<!tpu.dma_semaphore, #tpu.memory_space<semaphore_mem>>)
      %lt3A_276 = arith.constant 15 : i32
      %lt3A_277 = arith.cmpi slt, %add3A_174, %lt3A_276 : i32
      %convert_element_type3A_278 = arith.extui %lt3A_277 : i1 to i32
      %cond3A_279 = arith.constant 0 : i32
      %cond3A_280 = arith.cmpi ne, %convert_element_type3A_278, %cond3A_279 : i32
      scf.if %cond3A_280 {
        %add3A_446 = arith.constant 5 : i32
        %add3A_447 = arith.addi %add3A_229, %add3A_446 : i32
        %dma_start3A_448 = arith.constant 1 : i32
        %dma_start3A_449 = arith.constant 0 : i32
        %dma_start3A_450 = arith.constant 0 : i32
        %dma_start3A_451 = tpu.memref_slice %arg6[%dma_start3A_448, %dma_start3A_449, %dma_start3A_450] : memref<5x128x64xf32, #tpu.memory_space<vmem>> -> memref<1x128x64xf32, #tpu.memory_space<vmem>>
        %dma_start3A_452 = tpu.memref_squeeze %dma_start3A_451 : memref<1x128x64xf32, #tpu.memory_space<vmem>> -> memref<128x64xf32, #tpu.memory_space<vmem>>
        %dma_start3A_453 = arith.constant 0 : i32
        %dma_start3A_454 = tpu.memref_slice %arg5[%add3A_447, %dma_start3A_453] : memref<80x128xi32, #tpu.memory_space<vmem>> -> memref<1x128xi32, #tpu.memory_space<vmem>>
        %dma_start3A_455 = tpu.memref_squeeze %dma_start3A_454 : memref<1x128xi32, #tpu.memory_space<vmem>> -> memref<128xi32, #tpu.memory_space<vmem>>
        %dma_start3A_456 = arith.constant 0 : i32
        %dma_start3A_457 = arith.constant 0 : i32
        %dma_start3A_458 = tpu.memref_slice %arg3[%dma_start3A_456, %dma_start3A_457] : memref<1007616x64xf32, #tpu.memory_space<hbm>> -> memref<1007616x64xf32, #tpu.memory_space<hbm>>
        tpu.enqueue_indirect_dma source(%dma_start3A_458 : memref<1007616x64xf32, #tpu.memory_space<hbm>>) target(%dma_start3A_452 : memref<128x64xf32, #tpu.memory_space<vmem>>) offsets(%dma_start3A_455 : memref<128xi32, #tpu.memory_space<vmem>>) semaphore(%arg9 : memref<!tpu.dma_semaphore, #tpu.memory_space<semaphore_mem>>)
      } else {
      }
      %mul3A_281 = arith.constant 5 : i32
      %mul3A_282 = arith.muli %add3A_174, %mul3A_281 : i32
      %add3A_283 = arith.constant 2 : i32
      %add3A_284 = arith.addi %mul3A_282, %add3A_283 : i32
      %dma_wait3A_285 = arith.constant 0 : i32
      %dma_wait3A_286 = arith.constant 2 : i32
      %dma_wait3A_287 = arith.constant 0 : i32
      %dma_wait3A_288 = arith.constant 0 : i32
      %dma_wait3A_289 = tpu.memref_slice %arg6[%dma_wait3A_286, %dma_wait3A_287, %dma_wait3A_288] : memref<5x128x64xf32, #tpu.memory_space<vmem>> -> memref<1x128x64xf32, #tpu.memory_space<vmem>>
      %dma_wait3A_290 = tpu.memref_squeeze %dma_wait3A_289 : memref<1x128x64xf32, #tpu.memory_space<vmem>> -> memref<128x64xf32, #tpu.memory_space<vmem>>
      %dma_wait3A_291 = arith.constant 0 : i32
      %dma_wait3A_292 = tpu.memref_slice %arg5[%dma_wait3A_285, %dma_wait3A_291] : memref<80x128xi32, #tpu.memory_space<vmem>> -> memref<1x128xi32, #tpu.memory_space<vmem>>
      %dma_wait3A_293 = tpu.memref_squeeze %dma_wait3A_292 : memref<1x128xi32, #tpu.memory_space<vmem>> -> memref<128xi32, #tpu.memory_space<vmem>>
      %dma_wait3A_294 = arith.constant 0 : i32
      %dma_wait3A_295 = arith.constant 0 : i32
      %dma_wait3A_296 = tpu.memref_slice %arg3[%dma_wait3A_294, %dma_wait3A_295] : memref<1007616x64xf32, #tpu.memory_space<hbm>> -> memref<1007616x64xf32, #tpu.memory_space<hbm>>
      tpu.wait_indirect_dma semaphore(%arg10 : memref<!tpu.dma_semaphore, #tpu.memory_space<semaphore_mem>>) src(%dma_wait3A_296 : memref<1007616x64xf32, #tpu.memory_space<hbm>>) dst(%dma_wait3A_290 : memref<128x64xf32, #tpu.memory_space<vmem>>)
      %gt3A_297 = arith.constant 0 : i32
      %gt3A_298 = arith.cmpi sgt, %add3A_174, %gt3A_297 : i32
      %convert_element_type3A_299 = arith.extui %gt3A_298 : i1 to i32
      %cond3A_300 = arith.constant 0 : i32
      %cond3A_301 = arith.cmpi ne, %convert_element_type3A_299, %cond3A_300 : i32
      scf.if %cond3A_301 {
        %dma_wait3A_446 = arith.constant 2 : i32
        %dma_wait3A_447 = arith.constant 0 : i32
        %dma_wait3A_448 = arith.constant 0 : i32
        %dma_wait3A_449 = arith.constant 0 : i32
        %dma_wait3A_450 = tpu.memref_slice %arg7[%dma_wait3A_446, %dma_wait3A_447, %dma_wait3A_448, %dma_wait3A_449] : memref<5x8x8x128xf32, #tpu.memory_space<vmem>> -> memref<1x8x8x128xf32, #tpu.memory_space<vmem>>
        %dma_wait3A_451 = tpu.memref_squeeze %dma_wait3A_450 : memref<1x8x8x128xf32, #tpu.memory_space<vmem>> -> memref<8x8x128xf32, #tpu.memory_space<vmem>>
        %dma_wait3A_452 = arith.constant 0 : i32
        %dma_wait3A_453 = arith.constant 0 : i32
        %dma_wait3A_454 = arith.constant 0 : i32
        %dma_wait3A_455 = tpu.memref_slice %arg4[%dma_wait3A_452, %mul3A_2, %dma_wait3A_453, %dma_wait3A_454] : memref<8x2560x8x128xf32, #tpu.memory_space<hbm>> -> memref<8x1x8x128xf32, #tpu.memory_space<hbm>>
        %dma_wait3A_456 = tpu.memref_squeeze %dma_wait3A_455 : memref<8x1x8x128xf32, #tpu.memory_space<hbm>> -> memref<8x8x128xf32, #tpu.memory_space<hbm>>
        %dma_wait3A_457 = arith.constant 0 : i32
        %dma_wait3A_458 = arith.constant 0 : i32
        %dma_wait3A_459 = arith.constant 0 : i32
        %dma_wait3A_460 = tpu.memref_slice %arg4[%dma_wait3A_457, %mul3A_2, %dma_wait3A_458, %dma_wait3A_459] : memref<8x2560x8x128xf32, #tpu.memory_space<hbm>> -> memref<8x1x8x128xf32, #tpu.memory_space<hbm>>
        %dma_wait3A_461 = tpu.memref_squeeze %dma_wait3A_460 : memref<8x1x8x128xf32, #tpu.memory_space<hbm>> -> memref<8x8x128xf32, #tpu.memory_space<hbm>>
        %dma_wait3A_462 = arith.constant 0 : i32
        %dma_wait3A_463 = arith.constant 0 : i32
        %dma_wait3A_464 = arith.constant 0 : i32
        %dma_wait3A_465 = tpu.memref_slice %arg7[%dma_wait3A_446, %dma_wait3A_462, %dma_wait3A_463, %dma_wait3A_464] : memref<5x8x8x128xf32, #tpu.memory_space<vmem>> -> memref<1x8x8x128xf32, #tpu.memory_space<vmem>>
        %dma_wait3A_466 = tpu.memref_squeeze %dma_wait3A_465 : memref<1x8x8x128xf32, #tpu.memory_space<vmem>> -> memref<8x8x128xf32, #tpu.memory_space<vmem>>
        tpu.wait_dma2 semaphore(%arg15 : memref<!tpu.dma_semaphore, #tpu.memory_space<semaphore_mem>>) src(%dma_wait3A_466 : memref<8x8x128xf32, #tpu.memory_space<vmem>>) dst(%dma_wait3A_461 : memref<8x8x128xf32, #tpu.memory_space<hbm>>)
      } else {
      }
      %scan3A_302 = arith.constant 2 : i32
      %scan3A_303 = arith.constant 2 : i32
      %scan3A_304 = arith.constant 0 : i32
      %scan3A_305 = arith.constant 64 : i32
      %scan3A_306 = arith.addi %scan3A_304, %scan3A_305 : i32
      %scan3A_307 = arith.constant 1 : i32
      scf.for %scan3A_446 = %scan3A_304 to %scan3A_306 step %scan3A_307  : i32 {
        %mul3A_447 = arith.constant 1 : i32
        %mul3A_448 = arith.muli %scan3A_446, %mul3A_447 : i32
        %add3A_449 = arith.constant 0 : i32
        %add3A_450 = arith.addi %add3A_449, %mul3A_448 : i32
        %add3A_451 = vector.broadcast %add3A_450 : i32 to vector<16xi32>
        %add3A_452 = arith.addi %add3A_451, %iota3A : vector<16xi32>
        %and3A = arith.constant 63 : i32
        %and3A_453 = vector.broadcast %and3A : i32 to vector<16xi32>
        %and3A_454 = arith.andi %add3A_452, %and3A_453 : vector<16xi32>
        %shift_right_arithmetic3A = arith.constant 3 : i32
        %shift_right_arithmetic3A_455 = vector.broadcast %shift_right_arithmetic3A : i32 to vector<16xi32>
        %shift_right_arithmetic3A_456 = arith.shrsi %and3A_454, %shift_right_arithmetic3A_455 : vector<16xi32>
        %and3A_457 = arith.constant 7 : i32
        %and3A_458 = vector.broadcast %and3A_457 : i32 to vector<16xi32>
        %and3A_459 = arith.andi %and3A_454, %and3A_458 : vector<16xi32>
        %add3A_460 = arith.constant 0 : i32
        %add3A_461 = vector.broadcast %add3A_460 : i32 to vector<16xi32>
        %add3A_462 = arith.addi %iota3A, %add3A_461 : vector<16xi32>
        %gather3A = arith.constant 0 : i32
        %gather3A_463 = arith.constant 0 : i32
        %gather3A_464 = tpu.memref_slice %arg6[%scan3A_302, %gather3A, %gather3A_463] : memref<5x128x64xf32, #tpu.memory_space<vmem>> -> memref<1x128x64xf32, #tpu.memory_space<vmem>>
        %gather3A_465 = tpu.memref_squeeze %gather3A_464 : memref<1x128x64xf32, #tpu.memory_space<vmem>> -> memref<128x64xf32, #tpu.memory_space<vmem>>
        %gather3A_466 = tpu.vector_load_idx %gather3A_465[%add3A_462, %and3A_454] : memref<128x64xf32, #tpu.memory_space<vmem>>[vector<16xi32>, vector<16xi32>], vector<16xf32>,
        %scatter3A = arith.constant 0 : i32
        %scatter3A_467 = arith.constant 0 : i32
        %scatter3A_468 = arith.constant 0 : i32
        %scatter3A_469 = tpu.memref_slice %arg7[%scan3A_303, %scatter3A, %scatter3A_467, %scatter3A_468] : memref<5x8x8x128xf32, #tpu.memory_space<vmem>> -> memref<1x8x8x128xf32, #tpu.memory_space<vmem>>
        %scatter3A_470 = tpu.memref_squeeze %scatter3A_469 : memref<1x8x8x128xf32, #tpu.memory_space<vmem>> -> memref<8x8x128xf32, #tpu.memory_space<vmem>>
        tpu.vector_store_idx %scatter3A_470[%shift_right_arithmetic3A_456, %and3A_459, %add3A_462], %gather3A_466 : memref<8x8x128xf32, #tpu.memory_space<vmem>>[vector<16xi32>, vector<16xi32>, vector<16xi32>], vector<16xf32>,
        %add3A_471 = arith.constant 16 : i32
        %add3A_472 = vector.broadcast %add3A_471 : i32 to vector<16xi32>
        %add3A_473 = arith.addi %iota3A, %add3A_472 : vector<16xi32>
        %gather3A_474 = arith.constant 0 : i32
        %gather3A_475 = arith.constant 0 : i32
        %gather3A_476 = tpu.memref_slice %arg6[%scan3A_302, %gather3A_474, %gather3A_475] : memref<5x128x64xf32, #tpu.memory_space<vmem>> -> memref<1x128x64xf32, #tpu.memory_space<vmem>>
        %gather3A_477 = tpu.memref_squeeze %gather3A_476 : memref<1x128x64xf32, #tpu.memory_space<vmem>> -> memref<128x64xf32, #tpu.memory_space<vmem>>
        %gather3A_478 = tpu.vector_load_idx %gather3A_477[%add3A_473, %and3A_454] : memref<128x64xf32, #tpu.memory_space<vmem>>[vector<16xi32>, vector<16xi32>], vector<16xf32>,
        %scatter3A_479 = arith.constant 0 : i32
        %scatter3A_480 = arith.constant 0 : i32
        %scatter3A_481 = arith.constant 0 : i32
        %scatter3A_482 = tpu.memref_slice %arg7[%scan3A_303, %scatter3A_479, %scatter3A_480, %scatter3A_481] : memref<5x8x8x128xf32, #tpu.memory_space<vmem>> -> memref<1x8x8x128xf32, #tpu.memory_space<vmem>>
        %scatter3A_483 = tpu.memref_squeeze %scatter3A_482 : memref<1x8x8x128xf32, #tpu.memory_space<vmem>> -> memref<8x8x128xf32, #tpu.memory_space<vmem>>
        tpu.vector_store_idx %scatter3A_483[%shift_right_arithmetic3A_456, %and3A_459, %add3A_473], %gather3A_478 : memref<8x8x128xf32, #tpu.memory_space<vmem>>[vector<16xi32>, vector<16xi32>, vector<16xi32>], vector<16xf32>,
        %add3A_484 = arith.constant 32 : i32
        %add3A_485 = vector.broadcast %add3A_484 : i32 to vector<16xi32>
        %add3A_486 = arith.addi %iota3A, %add3A_485 : vector<16xi32>
        %gather3A_487 = arith.constant 0 : i32
        %gather3A_488 = arith.constant 0 : i32
        %gather3A_489 = tpu.memref_slice %arg6[%scan3A_302, %gather3A_487, %gather3A_488] : memref<5x128x64xf32, #tpu.memory_space<vmem>> -> memref<1x128x64xf32, #tpu.memory_space<vmem>>
        %gather3A_490 = tpu.memref_squeeze %gather3A_489 : memref<1x128x64xf32, #tpu.memory_space<vmem>> -> memref<128x64xf32, #tpu.memory_space<vmem>>
        %gather3A_491 = tpu.vector_load_idx %gather3A_490[%add3A_486, %and3A_454] : memref<128x64xf32, #tpu.memory_space<vmem>>[vector<16xi32>, vector<16xi32>], vector<16xf32>,
        %scatter3A_492 = arith.constant 0 : i32
        %scatter3A_493 = arith.constant 0 : i32
        %scatter3A_494 = arith.constant 0 : i32
        %scatter3A_495 = tpu.memref_slice %arg7[%scan3A_303, %scatter3A_492, %scatter3A_493, %scatter3A_494] : memref<5x8x8x128xf32, #tpu.memory_space<vmem>> -> memref<1x8x8x128xf32, #tpu.memory_space<vmem>>
        %scatter3A_496 = tpu.memref_squeeze %scatter3A_495 : memref<1x8x8x128xf32, #tpu.memory_space<vmem>> -> memref<8x8x128xf32, #tpu.memory_space<vmem>>
        tpu.vector_store_idx %scatter3A_496[%shift_right_arithmetic3A_456, %and3A_459, %add3A_486], %gather3A_491 : memref<8x8x128xf32, #tpu.memory_space<vmem>>[vector<16xi32>, vector<16xi32>, vector<16xi32>], vector<16xf32>,
        %add3A_497 = arith.constant 48 : i32
        %add3A_498 = vector.broadcast %add3A_497 : i32 to vector<16xi32>
        %add3A_499 = arith.addi %iota3A, %add3A_498 : vector<16xi32>
        %gather3A_500 = arith.constant 0 : i32
        %gather3A_501 = arith.constant 0 : i32
        %gather3A_502 = tpu.memref_slice %arg6[%scan3A_302, %gather3A_500, %gather3A_501] : memref<5x128x64xf32, #tpu.memory_space<vmem>> -> memref<1x128x64xf32, #tpu.memory_space<vmem>>
        %gather3A_503 = tpu.memref_squeeze %gather3A_502 : memref<1x128x64xf32, #tpu.memory_space<vmem>> -> memref<128x64xf32, #tpu.memory_space<vmem>>
        %gather3A_504 = tpu.vector_load_idx %gather3A_503[%add3A_499, %and3A_454] : memref<128x64xf32, #tpu.memory_space<vmem>>[vector<16xi32>, vector<16xi32>], vector<16xf32>,
        %scatter3A_505 = arith.constant 0 : i32
        %scatter3A_506 = arith.constant 0 : i32
        %scatter3A_507 = arith.constant 0 : i32
        %scatter3A_508 = tpu.memref_slice %arg7[%scan3A_303, %scatter3A_505, %scatter3A_506, %scatter3A_507] : memref<5x8x8x128xf32, #tpu.memory_space<vmem>> -> memref<1x8x8x128xf32, #tpu.memory_space<vmem>>
        %scatter3A_509 = tpu.memref_squeeze %scatter3A_508 : memref<1x8x8x128xf32, #tpu.memory_space<vmem>> -> memref<8x8x128xf32, #tpu.memory_space<vmem>>
        tpu.vector_store_idx %scatter3A_509[%shift_right_arithmetic3A_456, %and3A_459, %add3A_499], %gather3A_504 : memref<8x8x128xf32, #tpu.memory_space<vmem>>[vector<16xi32>, vector<16xi32>, vector<16xi32>], vector<16xf32>,
        %add3A_510 = arith.constant 64 : i32
        %add3A_511 = vector.broadcast %add3A_510 : i32 to vector<16xi32>
        %add3A_512 = arith.addi %iota3A, %add3A_511 : vector<16xi32>
        %gather3A_513 = arith.constant 0 : i32
        %gather3A_514 = arith.constant 0 : i32
        %gather3A_515 = tpu.memref_slice %arg6[%scan3A_302, %gather3A_513, %gather3A_514] : memref<5x128x64xf32, #tpu.memory_space<vmem>> -> memref<1x128x64xf32, #tpu.memory_space<vmem>>
        %gather3A_516 = tpu.memref_squeeze %gather3A_515 : memref<1x128x64xf32, #tpu.memory_space<vmem>> -> memref<128x64xf32, #tpu.memory_space<vmem>>
        %gather3A_517 = tpu.vector_load_idx %gather3A_516[%add3A_512, %and3A_454] : memref<128x64xf32, #tpu.memory_space<vmem>>[vector<16xi32>, vector<16xi32>], vector<16xf32>,
        %scatter3A_518 = arith.constant 0 : i32
        %scatter3A_519 = arith.constant 0 : i32
        %scatter3A_520 = arith.constant 0 : i32
        %scatter3A_521 = tpu.memref_slice %arg7[%scan3A_303, %scatter3A_518, %scatter3A_519, %scatter3A_520] : memref<5x8x8x128xf32, #tpu.memory_space<vmem>> -> memref<1x8x8x128xf32, #tpu.memory_space<vmem>>
        %scatter3A_522 = tpu.memref_squeeze %scatter3A_521 : memref<1x8x8x128xf32, #tpu.memory_space<vmem>> -> memref<8x8x128xf32, #tpu.memory_space<vmem>>
        tpu.vector_store_idx %scatter3A_522[%shift_right_arithmetic3A_456, %and3A_459, %add3A_512], %gather3A_517 : memref<8x8x128xf32, #tpu.memory_space<vmem>>[vector<16xi32>, vector<16xi32>, vector<16xi32>], vector<16xf32>,
        %add3A_523 = arith.constant 80 : i32
        %add3A_524 = vector.broadcast %add3A_523 : i32 to vector<16xi32>
        %add3A_525 = arith.addi %iota3A, %add3A_524 : vector<16xi32>
        %gather3A_526 = arith.constant 0 : i32
        %gather3A_527 = arith.constant 0 : i32
        %gather3A_528 = tpu.memref_slice %arg6[%scan3A_302, %gather3A_526, %gather3A_527] : memref<5x128x64xf32, #tpu.memory_space<vmem>> -> memref<1x128x64xf32, #tpu.memory_space<vmem>>
        %gather3A_529 = tpu.memref_squeeze %gather3A_528 : memref<1x128x64xf32, #tpu.memory_space<vmem>> -> memref<128x64xf32, #tpu.memory_space<vmem>>
        %gather3A_530 = tpu.vector_load_idx %gather3A_529[%add3A_525, %and3A_454] : memref<128x64xf32, #tpu.memory_space<vmem>>[vector<16xi32>, vector<16xi32>], vector<16xf32>,
        %scatter3A_531 = arith.constant 0 : i32
        %scatter3A_532 = arith.constant 0 : i32
        %scatter3A_533 = arith.constant 0 : i32
        %scatter3A_534 = tpu.memref_slice %arg7[%scan3A_303, %scatter3A_531, %scatter3A_532, %scatter3A_533] : memref<5x8x8x128xf32, #tpu.memory_space<vmem>> -> memref<1x8x8x128xf32, #tpu.memory_space<vmem>>
        %scatter3A_535 = tpu.memref_squeeze %scatter3A_534 : memref<1x8x8x128xf32, #tpu.memory_space<vmem>> -> memref<8x8x128xf32, #tpu.memory_space<vmem>>
        tpu.vector_store_idx %scatter3A_535[%shift_right_arithmetic3A_456, %and3A_459, %add3A_525], %gather3A_530 : memref<8x8x128xf32, #tpu.memory_space<vmem>>[vector<16xi32>, vector<16xi32>, vector<16xi32>], vector<16xf32>,
        %add3A_536 = arith.constant 96 : i32
        %add3A_537 = vector.broadcast %add3A_536 : i32 to vector<16xi32>
        %add3A_538 = arith.addi %iota3A, %add3A_537 : vector<16xi32>
        %gather3A_539 = arith.constant 0 : i32
        %gather3A_540 = arith.constant 0 : i32
        %gather3A_541 = tpu.memref_slice %arg6[%scan3A_302, %gather3A_539, %gather3A_540] : memref<5x128x64xf32, #tpu.memory_space<vmem>> -> memref<1x128x64xf32, #tpu.memory_space<vmem>>
        %gather3A_542 = tpu.memref_squeeze %gather3A_541 : memref<1x128x64xf32, #tpu.memory_space<vmem>> -> memref<128x64xf32, #tpu.memory_space<vmem>>
        %gather3A_543 = tpu.vector_load_idx %gather3A_542[%add3A_538, %and3A_454] : memref<128x64xf32, #tpu.memory_space<vmem>>[vector<16xi32>, vector<16xi32>], vector<16xf32>,
        %scatter3A_544 = arith.constant 0 : i32
        %scatter3A_545 = arith.constant 0 : i32
        %scatter3A_546 = arith.constant 0 : i32
        %scatter3A_547 = tpu.memref_slice %arg7[%scan3A_303, %scatter3A_544, %scatter3A_545, %scatter3A_546] : memref<5x8x8x128xf32, #tpu.memory_space<vmem>> -> memref<1x8x8x128xf32, #tpu.memory_space<vmem>>
        %scatter3A_548 = tpu.memref_squeeze %scatter3A_547 : memref<1x8x8x128xf32, #tpu.memory_space<vmem>> -> memref<8x8x128xf32, #tpu.memory_space<vmem>>
        tpu.vector_store_idx %scatter3A_548[%shift_right_arithmetic3A_456, %and3A_459, %add3A_538], %gather3A_543 : memref<8x8x128xf32, #tpu.memory_space<vmem>>[vector<16xi32>, vector<16xi32>, vector<16xi32>], vector<16xf32>,
        %add3A_549 = arith.constant 112 : i32
        %add3A_550 = vector.broadcast %add3A_549 : i32 to vector<16xi32>
        %add3A_551 = arith.addi %iota3A, %add3A_550 : vector<16xi32>
        %gather3A_552 = arith.constant 0 : i32
        %gather3A_553 = arith.constant 0 : i32
        %gather3A_554 = tpu.memref_slice %arg6[%scan3A_302, %gather3A_552, %gather3A_553] : memref<5x128x64xf32, #tpu.memory_space<vmem>> -> memref<1x128x64xf32, #tpu.memory_space<vmem>>
        %gather3A_555 = tpu.memref_squeeze %gather3A_554 : memref<1x128x64xf32, #tpu.memory_space<vmem>> -> memref<128x64xf32, #tpu.memory_space<vmem>>
        %gather3A_556 = tpu.vector_load_idx %gather3A_555[%add3A_551, %and3A_454] : memref<128x64xf32, #tpu.memory_space<vmem>>[vector<16xi32>, vector<16xi32>], vector<16xf32>,
        %scatter3A_557 = arith.constant 0 : i32
        %scatter3A_558 = arith.constant 0 : i32
        %scatter3A_559 = arith.constant 0 : i32
        %scatter3A_560 = tpu.memref_slice %arg7[%scan3A_303, %scatter3A_557, %scatter3A_558, %scatter3A_559] : memref<5x8x8x128xf32, #tpu.memory_space<vmem>> -> memref<1x8x8x128xf32, #tpu.memory_space<vmem>>
        %scatter3A_561 = tpu.memref_squeeze %scatter3A_560 : memref<1x8x8x128xf32, #tpu.memory_space<vmem>> -> memref<8x8x128xf32, #tpu.memory_space<vmem>>
        tpu.vector_store_idx %scatter3A_561[%shift_right_arithmetic3A_456, %and3A_459, %add3A_551], %gather3A_556 : memref<8x8x128xf32, #tpu.memory_space<vmem>>[vector<16xi32>, vector<16xi32>, vector<16xi32>], vector<16xf32>,
      }
      %scan3A_308 = arith.constant 64 : i32
      %add3A_309 = arith.addi %mul3A_2, %add3A_284 : i32
      %dma_start3A_310 = arith.constant 2 : i32
      %dma_start3A_311 = arith.constant 0 : i32
      %dma_start3A_312 = arith.constant 0 : i32
      %dma_start3A_313 = arith.constant 0 : i32
      %dma_start3A_314 = tpu.memref_slice %arg7[%dma_start3A_310, %dma_start3A_311, %dma_start3A_312, %dma_start3A_313] : memref<5x8x8x128xf32, #tpu.memory_space<vmem>> -> memref<1x8x8x128xf32, #tpu.memory_space<vmem>>
      %dma_start3A_315 = tpu.memref_squeeze %dma_start3A_314 : memref<1x8x8x128xf32, #tpu.memory_space<vmem>> -> memref<8x8x128xf32, #tpu.memory_space<vmem>>
      %dma_start3A_316 = arith.constant 0 : i32
      %dma_start3A_317 = arith.constant 0 : i32
      %dma_start3A_318 = arith.constant 0 : i32
      %dma_start3A_319 = tpu.memref_slice %arg4[%dma_start3A_316, %add3A_309, %dma_start3A_317, %dma_start3A_318] : memref<8x2560x8x128xf32, #tpu.memory_space<hbm>> -> memref<8x1x8x128xf32, #tpu.memory_space<hbm>>
      %dma_start3A_320 = tpu.memref_squeeze %dma_start3A_319 : memref<8x1x8x128xf32, #tpu.memory_space<hbm>> -> memref<8x8x128xf32, #tpu.memory_space<hbm>>
      %dma_start3A_321 = arith.constant 0 : i32
      %dma_start3A_322 = arith.constant 0 : i32
      %dma_start3A_323 = arith.constant 0 : i32
      %dma_start3A_324 = tpu.memref_slice %arg4[%dma_start3A_321, %add3A_309, %dma_start3A_322, %dma_start3A_323] : memref<8x2560x8x128xf32, #tpu.memory_space<hbm>> -> memref<8x1x8x128xf32, #tpu.memory_space<hbm>>
      %dma_start3A_325 = tpu.memref_squeeze %dma_start3A_324 : memref<8x1x8x128xf32, #tpu.memory_space<hbm>> -> memref<8x8x128xf32, #tpu.memory_space<hbm>>
      %dma_start3A_326 = arith.constant 0 : i32
      %dma_start3A_327 = arith.constant 0 : i32
      %dma_start3A_328 = arith.constant 0 : i32
      %dma_start3A_329 = tpu.memref_slice %arg7[%dma_start3A_310, %dma_start3A_326, %dma_start3A_327, %dma_start3A_328] : memref<5x8x8x128xf32, #tpu.memory_space<vmem>> -> memref<1x8x8x128xf32, #tpu.memory_space<vmem>>
      %dma_start3A_330 = tpu.memref_squeeze %dma_start3A_329 : memref<1x8x8x128xf32, #tpu.memory_space<vmem>> -> memref<8x8x128xf32, #tpu.memory_space<vmem>>
      tpu.enqueue_dma source(%dma_start3A_330 : memref<8x8x128xf32, #tpu.memory_space<vmem>>) target(%dma_start3A_325 : memref<8x8x128xf32, #tpu.memory_space<hbm>>) target_semaphore(%arg15 : memref<!tpu.dma_semaphore, #tpu.memory_space<semaphore_mem>>)
      %lt3A_331 = arith.constant 15 : i32
      %lt3A_332 = arith.cmpi slt, %add3A_174, %lt3A_331 : i32
      %convert_element_type3A_333 = arith.extui %lt3A_332 : i1 to i32
      %cond3A_334 = arith.constant 0 : i32
      %cond3A_335 = arith.cmpi ne, %convert_element_type3A_333, %cond3A_334 : i32
      scf.if %cond3A_335 {
        %add3A_446 = arith.constant 5 : i32
        %add3A_447 = arith.addi %add3A_284, %add3A_446 : i32
        %dma_start3A_448 = arith.constant 2 : i32
        %dma_start3A_449 = arith.constant 0 : i32
        %dma_start3A_450 = arith.constant 0 : i32
        %dma_start3A_451 = tpu.memref_slice %arg6[%dma_start3A_448, %dma_start3A_449, %dma_start3A_450] : memref<5x128x64xf32, #tpu.memory_space<vmem>> -> memref<1x128x64xf32, #tpu.memory_space<vmem>>
        %dma_start3A_452 = tpu.memref_squeeze %dma_start3A_451 : memref<1x128x64xf32, #tpu.memory_space<vmem>> -> memref<128x64xf32, #tpu.memory_space<vmem>>
        %dma_start3A_453 = arith.constant 0 : i32
        %dma_start3A_454 = tpu.memref_slice %arg5[%add3A_447, %dma_start3A_453] : memref<80x128xi32, #tpu.memory_space<vmem>> -> memref<1x128xi32, #tpu.memory_space<vmem>>
        %dma_start3A_455 = tpu.memref_squeeze %dma_start3A_454 : memref<1x128xi32, #tpu.memory_space<vmem>> -> memref<128xi32, #tpu.memory_space<vmem>>
        %dma_start3A_456 = arith.constant 0 : i32
        %dma_start3A_457 = arith.constant 0 : i32
        %dma_start3A_458 = tpu.memref_slice %arg3[%dma_start3A_456, %dma_start3A_457] : memref<1007616x64xf32, #tpu.memory_space<hbm>> -> memref<1007616x64xf32, #tpu.memory_space<hbm>>
        tpu.enqueue_indirect_dma source(%dma_start3A_458 : memref<1007616x64xf32, #tpu.memory_space<hbm>>) target(%dma_start3A_452 : memref<128x64xf32, #tpu.memory_space<vmem>>) offsets(%dma_start3A_455 : memref<128xi32, #tpu.memory_space<vmem>>) semaphore(%arg10 : memref<!tpu.dma_semaphore, #tpu.memory_space<semaphore_mem>>)
      } else {
      }
      %mul3A_336 = arith.constant 5 : i32
      %mul3A_337 = arith.muli %add3A_174, %mul3A_336 : i32
      %add3A_338 = arith.constant 3 : i32
      %add3A_339 = arith.addi %mul3A_337, %add3A_338 : i32
      %dma_wait3A_340 = arith.constant 0 : i32
      %dma_wait3A_341 = arith.constant 3 : i32
      %dma_wait3A_342 = arith.constant 0 : i32
      %dma_wait3A_343 = arith.constant 0 : i32
      %dma_wait3A_344 = tpu.memref_slice %arg6[%dma_wait3A_341, %dma_wait3A_342, %dma_wait3A_343] : memref<5x128x64xf32, #tpu.memory_space<vmem>> -> memref<1x128x64xf32, #tpu.memory_space<vmem>>
      %dma_wait3A_345 = tpu.memref_squeeze %dma_wait3A_344 : memref<1x128x64xf32, #tpu.memory_space<vmem>> -> memref<128x64xf32, #tpu.memory_space<vmem>>
      %dma_wait3A_346 = arith.constant 0 : i32
      %dma_wait3A_347 = tpu.memref_slice %arg5[%dma_wait3A_340, %dma_wait3A_346] : memref<80x128xi32, #tpu.memory_space<vmem>> -> memref<1x128xi32, #tpu.memory_space<vmem>>
      %dma_wait3A_348 = tpu.memref_squeeze %dma_wait3A_347 : memref<1x128xi32, #tpu.memory_space<vmem>> -> memref<128xi32, #tpu.memory_space<vmem>>
      %dma_wait3A_349 = arith.constant 0 : i32
      %dma_wait3A_350 = arith.constant 0 : i32
      %dma_wait3A_351 = tpu.memref_slice %arg3[%dma_wait3A_349, %dma_wait3A_350] : memref<1007616x64xf32, #tpu.memory_space<hbm>> -> memref<1007616x64xf32, #tpu.memory_space<hbm>>
      tpu.wait_indirect_dma semaphore(%arg11 : memref<!tpu.dma_semaphore, #tpu.memory_space<semaphore_mem>>) src(%dma_wait3A_351 : memref<1007616x64xf32, #tpu.memory_space<hbm>>) dst(%dma_wait3A_345 : memref<128x64xf32, #tpu.memory_space<vmem>>)
      %gt3A_352 = arith.constant 0 : i32
      %gt3A_353 = arith.cmpi sgt, %add3A_174, %gt3A_352 : i32
      %convert_element_type3A_354 = arith.extui %gt3A_353 : i1 to i32
      %cond3A_355 = arith.constant 0 : i32
      %cond3A_356 = arith.cmpi ne, %convert_element_type3A_354, %cond3A_355 : i32
      scf.if %cond3A_356 {
        %dma_wait3A_446 = arith.constant 3 : i32
        %dma_wait3A_447 = arith.constant 0 : i32
        %dma_wait3A_448 = arith.constant 0 : i32
        %dma_wait3A_449 = arith.constant 0 : i32
        %dma_wait3A_450 = tpu.memref_slice %arg7[%dma_wait3A_446, %dma_wait3A_447, %dma_wait3A_448, %dma_wait3A_449] : memref<5x8x8x128xf32, #tpu.memory_space<vmem>> -> memref<1x8x8x128xf32, #tpu.memory_space<vmem>>
        %dma_wait3A_451 = tpu.memref_squeeze %dma_wait3A_450 : memref<1x8x8x128xf32, #tpu.memory_space<vmem>> -> memref<8x8x128xf32, #tpu.memory_space<vmem>>
        %dma_wait3A_452 = arith.constant 0 : i32
        %dma_wait3A_453 = arith.constant 0 : i32
        %dma_wait3A_454 = arith.constant 0 : i32
        %dma_wait3A_455 = tpu.memref_slice %arg4[%dma_wait3A_452, %mul3A_2, %dma_wait3A_453, %dma_wait3A_454] : memref<8x2560x8x128xf32, #tpu.memory_space<hbm>> -> memref<8x1x8x128xf32, #tpu.memory_space<hbm>>
        %dma_wait3A_456 = tpu.memref_squeeze %dma_wait3A_455 : memref<8x1x8x128xf32, #tpu.memory_space<hbm>> -> memref<8x8x128xf32, #tpu.memory_space<hbm>>
        %dma_wait3A_457 = arith.constant 0 : i32
        %dma_wait3A_458 = arith.constant 0 : i32
        %dma_wait3A_459 = arith.constant 0 : i32
        %dma_wait3A_460 = tpu.memref_slice %arg4[%dma_wait3A_457, %mul3A_2, %dma_wait3A_458, %dma_wait3A_459] : memref<8x2560x8x128xf32, #tpu.memory_space<hbm>> -> memref<8x1x8x128xf32, #tpu.memory_space<hbm>>
        %dma_wait3A_461 = tpu.memref_squeeze %dma_wait3A_460 : memref<8x1x8x128xf32, #tpu.memory_space<hbm>> -> memref<8x8x128xf32, #tpu.memory_space<hbm>>
        %dma_wait3A_462 = arith.constant 0 : i32
        %dma_wait3A_463 = arith.constant 0 : i32
        %dma_wait3A_464 = arith.constant 0 : i32
        %dma_wait3A_465 = tpu.memref_slice %arg7[%dma_wait3A_446, %dma_wait3A_462, %dma_wait3A_463, %dma_wait3A_464] : memref<5x8x8x128xf32, #tpu.memory_space<vmem>> -> memref<1x8x8x128xf32, #tpu.memory_space<vmem>>
        %dma_wait3A_466 = tpu.memref_squeeze %dma_wait3A_465 : memref<1x8x8x128xf32, #tpu.memory_space<vmem>> -> memref<8x8x128xf32, #tpu.memory_space<vmem>>
        tpu.wait_dma2 semaphore(%arg16 : memref<!tpu.dma_semaphore, #tpu.memory_space<semaphore_mem>>) src(%dma_wait3A_466 : memref<8x8x128xf32, #tpu.memory_space<vmem>>) dst(%dma_wait3A_461 : memref<8x8x128xf32, #tpu.memory_space<hbm>>)
      } else {
      }
      %scan3A_357 = arith.constant 3 : i32
      %scan3A_358 = arith.constant 3 : i32
      %scan3A_359 = arith.constant 0 : i32
      %scan3A_360 = arith.constant 64 : i32
      %scan3A_361 = arith.addi %scan3A_359, %scan3A_360 : i32
      %scan3A_362 = arith.constant 1 : i32
      scf.for %scan3A_446 = %scan3A_359 to %scan3A_361 step %scan3A_362  : i32 {
        %mul3A_447 = arith.constant 1 : i32
        %mul3A_448 = arith.muli %scan3A_446, %mul3A_447 : i32
        %add3A_449 = arith.constant 0 : i32
        %add3A_450 = arith.addi %add3A_449, %mul3A_448 : i32
        %add3A_451 = vector.broadcast %add3A_450 : i32 to vector<16xi32>
        %add3A_452 = arith.addi %add3A_451, %iota3A : vector<16xi32>
        %and3A = arith.constant 63 : i32
        %and3A_453 = vector.broadcast %and3A : i32 to vector<16xi32>
        %and3A_454 = arith.andi %add3A_452, %and3A_453 : vector<16xi32>
        %shift_right_arithmetic3A = arith.constant 3 : i32
        %shift_right_arithmetic3A_455 = vector.broadcast %shift_right_arithmetic3A : i32 to vector<16xi32>
        %shift_right_arithmetic3A_456 = arith.shrsi %and3A_454, %shift_right_arithmetic3A_455 : vector<16xi32>
        %and3A_457 = arith.constant 7 : i32
        %and3A_458 = vector.broadcast %and3A_457 : i32 to vector<16xi32>
        %and3A_459 = arith.andi %and3A_454, %and3A_458 : vector<16xi32>
        %add3A_460 = arith.constant 0 : i32
        %add3A_461 = vector.broadcast %add3A_460 : i32 to vector<16xi32>
        %add3A_462 = arith.addi %iota3A, %add3A_461 : vector<16xi32>
        %gather3A = arith.constant 0 : i32
        %gather3A_463 = arith.constant 0 : i32
        %gather3A_464 = tpu.memref_slice %arg6[%scan3A_357, %gather3A, %gather3A_463] : memref<5x128x64xf32, #tpu.memory_space<vmem>> -> memref<1x128x64xf32, #tpu.memory_space<vmem>>
        %gather3A_465 = tpu.memref_squeeze %gather3A_464 : memref<1x128x64xf32, #tpu.memory_space<vmem>> -> memref<128x64xf32, #tpu.memory_space<vmem>>
        %gather3A_466 = tpu.vector_load_idx %gather3A_465[%add3A_462, %and3A_454] : memref<128x64xf32, #tpu.memory_space<vmem>>[vector<16xi32>, vector<16xi32>], vector<16xf32>,
        %scatter3A = arith.constant 0 : i32
        %scatter3A_467 = arith.constant 0 : i32
        %scatter3A_468 = arith.constant 0 : i32
        %scatter3A_469 = tpu.memref_slice %arg7[%scan3A_358, %scatter3A, %scatter3A_467, %scatter3A_468] : memref<5x8x8x128xf32, #tpu.memory_space<vmem>> -> memref<1x8x8x128xf32, #tpu.memory_space<vmem>>
        %scatter3A_470 = tpu.memref_squeeze %scatter3A_469 : memref<1x8x8x128xf32, #tpu.memory_space<vmem>> -> memref<8x8x128xf32, #tpu.memory_space<vmem>>
        tpu.vector_store_idx %scatter3A_470[%shift_right_arithmetic3A_456, %and3A_459, %add3A_462], %gather3A_466 : memref<8x8x128xf32, #tpu.memory_space<vmem>>[vector<16xi32>, vector<16xi32>, vector<16xi32>], vector<16xf32>,
        %add3A_471 = arith.constant 16 : i32
        %add3A_472 = vector.broadcast %add3A_471 : i32 to vector<16xi32>
        %add3A_473 = arith.addi %iota3A, %add3A_472 : vector<16xi32>
        %gather3A_474 = arith.constant 0 : i32
        %gather3A_475 = arith.constant 0 : i32
        %gather3A_476 = tpu.memref_slice %arg6[%scan3A_357, %gather3A_474, %gather3A_475] : memref<5x128x64xf32, #tpu.memory_space<vmem>> -> memref<1x128x64xf32, #tpu.memory_space<vmem>>
        %gather3A_477 = tpu.memref_squeeze %gather3A_476 : memref<1x128x64xf32, #tpu.memory_space<vmem>> -> memref<128x64xf32, #tpu.memory_space<vmem>>
        %gather3A_478 = tpu.vector_load_idx %gather3A_477[%add3A_473, %and3A_454] : memref<128x64xf32, #tpu.memory_space<vmem>>[vector<16xi32>, vector<16xi32>], vector<16xf32>,
        %scatter3A_479 = arith.constant 0 : i32
        %scatter3A_480 = arith.constant 0 : i32
        %scatter3A_481 = arith.constant 0 : i32
        %scatter3A_482 = tpu.memref_slice %arg7[%scan3A_358, %scatter3A_479, %scatter3A_480, %scatter3A_481] : memref<5x8x8x128xf32, #tpu.memory_space<vmem>> -> memref<1x8x8x128xf32, #tpu.memory_space<vmem>>
        %scatter3A_483 = tpu.memref_squeeze %scatter3A_482 : memref<1x8x8x128xf32, #tpu.memory_space<vmem>> -> memref<8x8x128xf32, #tpu.memory_space<vmem>>
        tpu.vector_store_idx %scatter3A_483[%shift_right_arithmetic3A_456, %and3A_459, %add3A_473], %gather3A_478 : memref<8x8x128xf32, #tpu.memory_space<vmem>>[vector<16xi32>, vector<16xi32>, vector<16xi32>], vector<16xf32>,
        %add3A_484 = arith.constant 32 : i32
        %add3A_485 = vector.broadcast %add3A_484 : i32 to vector<16xi32>
        %add3A_486 = arith.addi %iota3A, %add3A_485 : vector<16xi32>
        %gather3A_487 = arith.constant 0 : i32
        %gather3A_488 = arith.constant 0 : i32
        %gather3A_489 = tpu.memref_slice %arg6[%scan3A_357, %gather3A_487, %gather3A_488] : memref<5x128x64xf32, #tpu.memory_space<vmem>> -> memref<1x128x64xf32, #tpu.memory_space<vmem>>
        %gather3A_490 = tpu.memref_squeeze %gather3A_489 : memref<1x128x64xf32, #tpu.memory_space<vmem>> -> memref<128x64xf32, #tpu.memory_space<vmem>>
        %gather3A_491 = tpu.vector_load_idx %gather3A_490[%add3A_486, %and3A_454] : memref<128x64xf32, #tpu.memory_space<vmem>>[vector<16xi32>, vector<16xi32>], vector<16xf32>,
        %scatter3A_492 = arith.constant 0 : i32
        %scatter3A_493 = arith.constant 0 : i32
        %scatter3A_494 = arith.constant 0 : i32
        %scatter3A_495 = tpu.memref_slice %arg7[%scan3A_358, %scatter3A_492, %scatter3A_493, %scatter3A_494] : memref<5x8x8x128xf32, #tpu.memory_space<vmem>> -> memref<1x8x8x128xf32, #tpu.memory_space<vmem>>
        %scatter3A_496 = tpu.memref_squeeze %scatter3A_495 : memref<1x8x8x128xf32, #tpu.memory_space<vmem>> -> memref<8x8x128xf32, #tpu.memory_space<vmem>>
        tpu.vector_store_idx %scatter3A_496[%shift_right_arithmetic3A_456, %and3A_459, %add3A_486], %gather3A_491 : memref<8x8x128xf32, #tpu.memory_space<vmem>>[vector<16xi32>, vector<16xi32>, vector<16xi32>], vector<16xf32>,
        %add3A_497 = arith.constant 48 : i32
        %add3A_498 = vector.broadcast %add3A_497 : i32 to vector<16xi32>
        %add3A_499 = arith.addi %iota3A, %add3A_498 : vector<16xi32>
        %gather3A_500 = arith.constant 0 : i32
        %gather3A_501 = arith.constant 0 : i32
        %gather3A_502 = tpu.memref_slice %arg6[%scan3A_357, %gather3A_500, %gather3A_501] : memref<5x128x64xf32, #tpu.memory_space<vmem>> -> memref<1x128x64xf32, #tpu.memory_space<vmem>>
        %gather3A_503 = tpu.memref_squeeze %gather3A_502 : memref<1x128x64xf32, #tpu.memory_space<vmem>> -> memref<128x64xf32, #tpu.memory_space<vmem>>
        %gather3A_504 = tpu.vector_load_idx %gather3A_503[%add3A_499, %and3A_454] : memref<128x64xf32, #tpu.memory_space<vmem>>[vector<16xi32>, vector<16xi32>], vector<16xf32>,
        %scatter3A_505 = arith.constant 0 : i32
        %scatter3A_506 = arith.constant 0 : i32
        %scatter3A_507 = arith.constant 0 : i32
        %scatter3A_508 = tpu.memref_slice %arg7[%scan3A_358, %scatter3A_505, %scatter3A_506, %scatter3A_507] : memref<5x8x8x128xf32, #tpu.memory_space<vmem>> -> memref<1x8x8x128xf32, #tpu.memory_space<vmem>>
        %scatter3A_509 = tpu.memref_squeeze %scatter3A_508 : memref<1x8x8x128xf32, #tpu.memory_space<vmem>> -> memref<8x8x128xf32, #tpu.memory_space<vmem>>
        tpu.vector_store_idx %scatter3A_509[%shift_right_arithmetic3A_456, %and3A_459, %add3A_499], %gather3A_504 : memref<8x8x128xf32, #tpu.memory_space<vmem>>[vector<16xi32>, vector<16xi32>, vector<16xi32>], vector<16xf32>,
        %add3A_510 = arith.constant 64 : i32
        %add3A_511 = vector.broadcast %add3A_510 : i32 to vector<16xi32>
        %add3A_512 = arith.addi %iota3A, %add3A_511 : vector<16xi32>
        %gather3A_513 = arith.constant 0 : i32
        %gather3A_514 = arith.constant 0 : i32
        %gather3A_515 = tpu.memref_slice %arg6[%scan3A_357, %gather3A_513, %gather3A_514] : memref<5x128x64xf32, #tpu.memory_space<vmem>> -> memref<1x128x64xf32, #tpu.memory_space<vmem>>
        %gather3A_516 = tpu.memref_squeeze %gather3A_515 : memref<1x128x64xf32, #tpu.memory_space<vmem>> -> memref<128x64xf32, #tpu.memory_space<vmem>>
        %gather3A_517 = tpu.vector_load_idx %gather3A_516[%add3A_512, %and3A_454] : memref<128x64xf32, #tpu.memory_space<vmem>>[vector<16xi32>, vector<16xi32>], vector<16xf32>,
        %scatter3A_518 = arith.constant 0 : i32
        %scatter3A_519 = arith.constant 0 : i32
        %scatter3A_520 = arith.constant 0 : i32
        %scatter3A_521 = tpu.memref_slice %arg7[%scan3A_358, %scatter3A_518, %scatter3A_519, %scatter3A_520] : memref<5x8x8x128xf32, #tpu.memory_space<vmem>> -> memref<1x8x8x128xf32, #tpu.memory_space<vmem>>
        %scatter3A_522 = tpu.memref_squeeze %scatter3A_521 : memref<1x8x8x128xf32, #tpu.memory_space<vmem>> -> memref<8x8x128xf32, #tpu.memory_space<vmem>>
        tpu.vector_store_idx %scatter3A_522[%shift_right_arithmetic3A_456, %and3A_459, %add3A_512], %gather3A_517 : memref<8x8x128xf32, #tpu.memory_space<vmem>>[vector<16xi32>, vector<16xi32>, vector<16xi32>], vector<16xf32>,
        %add3A_523 = arith.constant 80 : i32
        %add3A_524 = vector.broadcast %add3A_523 : i32 to vector<16xi32>
        %add3A_525 = arith.addi %iota3A, %add3A_524 : vector<16xi32>
        %gather3A_526 = arith.constant 0 : i32
        %gather3A_527 = arith.constant 0 : i32
        %gather3A_528 = tpu.memref_slice %arg6[%scan3A_357, %gather3A_526, %gather3A_527] : memref<5x128x64xf32, #tpu.memory_space<vmem>> -> memref<1x128x64xf32, #tpu.memory_space<vmem>>
        %gather3A_529 = tpu.memref_squeeze %gather3A_528 : memref<1x128x64xf32, #tpu.memory_space<vmem>> -> memref<128x64xf32, #tpu.memory_space<vmem>>
        %gather3A_530 = tpu.vector_load_idx %gather3A_529[%add3A_525, %and3A_454] : memref<128x64xf32, #tpu.memory_space<vmem>>[vector<16xi32>, vector<16xi32>], vector<16xf32>,
        %scatter3A_531 = arith.constant 0 : i32
        %scatter3A_532 = arith.constant 0 : i32
        %scatter3A_533 = arith.constant 0 : i32
        %scatter3A_534 = tpu.memref_slice %arg7[%scan3A_358, %scatter3A_531, %scatter3A_532, %scatter3A_533] : memref<5x8x8x128xf32, #tpu.memory_space<vmem>> -> memref<1x8x8x128xf32, #tpu.memory_space<vmem>>
        %scatter3A_535 = tpu.memref_squeeze %scatter3A_534 : memref<1x8x8x128xf32, #tpu.memory_space<vmem>> -> memref<8x8x128xf32, #tpu.memory_space<vmem>>
        tpu.vector_store_idx %scatter3A_535[%shift_right_arithmetic3A_456, %and3A_459, %add3A_525], %gather3A_530 : memref<8x8x128xf32, #tpu.memory_space<vmem>>[vector<16xi32>, vector<16xi32>, vector<16xi32>], vector<16xf32>,
        %add3A_536 = arith.constant 96 : i32
        %add3A_537 = vector.broadcast %add3A_536 : i32 to vector<16xi32>
        %add3A_538 = arith.addi %iota3A, %add3A_537 : vector<16xi32>
        %gather3A_539 = arith.constant 0 : i32
        %gather3A_540 = arith.constant 0 : i32
        %gather3A_541 = tpu.memref_slice %arg6[%scan3A_357, %gather3A_539, %gather3A_540] : memref<5x128x64xf32, #tpu.memory_space<vmem>> -> memref<1x128x64xf32, #tpu.memory_space<vmem>>
        %gather3A_542 = tpu.memref_squeeze %gather3A_541 : memref<1x128x64xf32, #tpu.memory_space<vmem>> -> memref<128x64xf32, #tpu.memory_space<vmem>>
        %gather3A_543 = tpu.vector_load_idx %gather3A_542[%add3A_538, %and3A_454] : memref<128x64xf32, #tpu.memory_space<vmem>>[vector<16xi32>, vector<16xi32>], vector<16xf32>,
        %scatter3A_544 = arith.constant 0 : i32
        %scatter3A_545 = arith.constant 0 : i32
        %scatter3A_546 = arith.constant 0 : i32
        %scatter3A_547 = tpu.memref_slice %arg7[%scan3A_358, %scatter3A_544, %scatter3A_545, %scatter3A_546] : memref<5x8x8x128xf32, #tpu.memory_space<vmem>> -> memref<1x8x8x128xf32, #tpu.memory_space<vmem>>
        %scatter3A_548 = tpu.memref_squeeze %scatter3A_547 : memref<1x8x8x128xf32, #tpu.memory_space<vmem>> -> memref<8x8x128xf32, #tpu.memory_space<vmem>>
        tpu.vector_store_idx %scatter3A_548[%shift_right_arithmetic3A_456, %and3A_459, %add3A_538], %gather3A_543 : memref<8x8x128xf32, #tpu.memory_space<vmem>>[vector<16xi32>, vector<16xi32>, vector<16xi32>], vector<16xf32>,
        %add3A_549 = arith.constant 112 : i32
        %add3A_550 = vector.broadcast %add3A_549 : i32 to vector<16xi32>
        %add3A_551 = arith.addi %iota3A, %add3A_550 : vector<16xi32>
        %gather3A_552 = arith.constant 0 : i32
        %gather3A_553 = arith.constant 0 : i32
        %gather3A_554 = tpu.memref_slice %arg6[%scan3A_357, %gather3A_552, %gather3A_553] : memref<5x128x64xf32, #tpu.memory_space<vmem>> -> memref<1x128x64xf32, #tpu.memory_space<vmem>>
        %gather3A_555 = tpu.memref_squeeze %gather3A_554 : memref<1x128x64xf32, #tpu.memory_space<vmem>> -> memref<128x64xf32, #tpu.memory_space<vmem>>
        %gather3A_556 = tpu.vector_load_idx %gather3A_555[%add3A_551, %and3A_454] : memref<128x64xf32, #tpu.memory_space<vmem>>[vector<16xi32>, vector<16xi32>], vector<16xf32>,
        %scatter3A_557 = arith.constant 0 : i32
        %scatter3A_558 = arith.constant 0 : i32
        %scatter3A_559 = arith.constant 0 : i32
        %scatter3A_560 = tpu.memref_slice %arg7[%scan3A_358, %scatter3A_557, %scatter3A_558, %scatter3A_559] : memref<5x8x8x128xf32, #tpu.memory_space<vmem>> -> memref<1x8x8x128xf32, #tpu.memory_space<vmem>>
        %scatter3A_561 = tpu.memref_squeeze %scatter3A_560 : memref<1x8x8x128xf32, #tpu.memory_space<vmem>> -> memref<8x8x128xf32, #tpu.memory_space<vmem>>
        tpu.vector_store_idx %scatter3A_561[%shift_right_arithmetic3A_456, %and3A_459, %add3A_551], %gather3A_556 : memref<8x8x128xf32, #tpu.memory_space<vmem>>[vector<16xi32>, vector<16xi32>, vector<16xi32>], vector<16xf32>,
      }
      %scan3A_363 = arith.constant 64 : i32
      %add3A_364 = arith.addi %mul3A_2, %add3A_339 : i32
      %dma_start3A_365 = arith.constant 3 : i32
      %dma_start3A_366 = arith.constant 0 : i32
      %dma_start3A_367 = arith.constant 0 : i32
      %dma_start3A_368 = arith.constant 0 : i32
      %dma_start3A_369 = tpu.memref_slice %arg7[%dma_start3A_365, %dma_start3A_366, %dma_start3A_367, %dma_start3A_368] : memref<5x8x8x128xf32, #tpu.memory_space<vmem>> -> memref<1x8x8x128xf32, #tpu.memory_space<vmem>>
      %dma_start3A_370 = tpu.memref_squeeze %dma_start3A_369 : memref<1x8x8x128xf32, #tpu.memory_space<vmem>> -> memref<8x8x128xf32, #tpu.memory_space<vmem>>
      %dma_start3A_371 = arith.constant 0 : i32
      %dma_start3A_372 = arith.constant 0 : i32
      %dma_start3A_373 = arith.constant 0 : i32
      %dma_start3A_374 = tpu.memref_slice %arg4[%dma_start3A_371, %add3A_364, %dma_start3A_372, %dma_start3A_373] : memref<8x2560x8x128xf32, #tpu.memory_space<hbm>> -> memref<8x1x8x128xf32, #tpu.memory_space<hbm>>
      %dma_start3A_375 = tpu.memref_squeeze %dma_start3A_374 : memref<8x1x8x128xf32, #tpu.memory_space<hbm>> -> memref<8x8x128xf32, #tpu.memory_space<hbm>>
      %dma_start3A_376 = arith.constant 0 : i32
      %dma_start3A_377 = arith.constant 0 : i32
      %dma_start3A_378 = arith.constant 0 : i32
      %dma_start3A_379 = tpu.memref_slice %arg4[%dma_start3A_376, %add3A_364, %dma_start3A_377, %dma_start3A_378] : memref<8x2560x8x128xf32, #tpu.memory_space<hbm>> -> memref<8x1x8x128xf32, #tpu.memory_space<hbm>>
      %dma_start3A_380 = tpu.memref_squeeze %dma_start3A_379 : memref<8x1x8x128xf32, #tpu.memory_space<hbm>> -> memref<8x8x128xf32, #tpu.memory_space<hbm>>
      %dma_start3A_381 = arith.constant 0 : i32
      %dma_start3A_382 = arith.constant 0 : i32
      %dma_start3A_383 = arith.constant 0 : i32
      %dma_start3A_384 = tpu.memref_slice %arg7[%dma_start3A_365, %dma_start3A_381, %dma_start3A_382, %dma_start3A_383] : memref<5x8x8x128xf32, #tpu.memory_space<vmem>> -> memref<1x8x8x128xf32, #tpu.memory_space<vmem>>
      %dma_start3A_385 = tpu.memref_squeeze %dma_start3A_384 : memref<1x8x8x128xf32, #tpu.memory_space<vmem>> -> memref<8x8x128xf32, #tpu.memory_space<vmem>>
      tpu.enqueue_dma source(%dma_start3A_385 : memref<8x8x128xf32, #tpu.memory_space<vmem>>) target(%dma_start3A_380 : memref<8x8x128xf32, #tpu.memory_space<hbm>>) target_semaphore(%arg16 : memref<!tpu.dma_semaphore, #tpu.memory_space<semaphore_mem>>)
      %lt3A_386 = arith.constant 15 : i32
      %lt3A_387 = arith.cmpi slt, %add3A_174, %lt3A_386 : i32
      %convert_element_type3A_388 = arith.extui %lt3A_387 : i1 to i32
      %cond3A_389 = arith.constant 0 : i32
      %cond3A_390 = arith.cmpi ne, %convert_element_type3A_388, %cond3A_389 : i32
      scf.if %cond3A_390 {
        %add3A_446 = arith.constant 5 : i32
        %add3A_447 = arith.addi %add3A_339, %add3A_446 : i32
        %dma_start3A_448 = arith.constant 3 : i32
        %dma_start3A_449 = arith.constant 0 : i32
        %dma_start3A_450 = arith.constant 0 : i32
        %dma_start3A_451 = tpu.memref_slice %arg6[%dma_start3A_448, %dma_start3A_449, %dma_start3A_450] : memref<5x128x64xf32, #tpu.memory_space<vmem>> -> memref<1x128x64xf32, #tpu.memory_space<vmem>>
        %dma_start3A_452 = tpu.memref_squeeze %dma_start3A_451 : memref<1x128x64xf32, #tpu.memory_space<vmem>> -> memref<128x64xf32, #tpu.memory_space<vmem>>
        %dma_start3A_453 = arith.constant 0 : i32
        %dma_start3A_454 = tpu.memref_slice %arg5[%add3A_447, %dma_start3A_453] : memref<80x128xi32, #tpu.memory_space<vmem>> -> memref<1x128xi32, #tpu.memory_space<vmem>>
        %dma_start3A_455 = tpu.memref_squeeze %dma_start3A_454 : memref<1x128xi32, #tpu.memory_space<vmem>> -> memref<128xi32, #tpu.memory_space<vmem>>
        %dma_start3A_456 = arith.constant 0 : i32
        %dma_start3A_457 = arith.constant 0 : i32
        %dma_start3A_458 = tpu.memref_slice %arg3[%dma_start3A_456, %dma_start3A_457] : memref<1007616x64xf32, #tpu.memory_space<hbm>> -> memref<1007616x64xf32, #tpu.memory_space<hbm>>
        tpu.enqueue_indirect_dma source(%dma_start3A_458 : memref<1007616x64xf32, #tpu.memory_space<hbm>>) target(%dma_start3A_452 : memref<128x64xf32, #tpu.memory_space<vmem>>) offsets(%dma_start3A_455 : memref<128xi32, #tpu.memory_space<vmem>>) semaphore(%arg11 : memref<!tpu.dma_semaphore, #tpu.memory_space<semaphore_mem>>)
      } else {
      }
      %mul3A_391 = arith.constant 5 : i32
      %mul3A_392 = arith.muli %add3A_174, %mul3A_391 : i32
      %add3A_393 = arith.constant 4 : i32
      %add3A_394 = arith.addi %mul3A_392, %add3A_393 : i32
      %dma_wait3A_395 = arith.constant 0 : i32
      %dma_wait3A_396 = arith.constant 4 : i32
      %dma_wait3A_397 = arith.constant 0 : i32
      %dma_wait3A_398 = arith.constant 0 : i32
      %dma_wait3A_399 = tpu.memref_slice %arg6[%dma_wait3A_396, %dma_wait3A_397, %dma_wait3A_398] : memref<5x128x64xf32, #tpu.memory_space<vmem>> -> memref<1x128x64xf32, #tpu.memory_space<vmem>>
      %dma_wait3A_400 = tpu.memref_squeeze %dma_wait3A_399 : memref<1x128x64xf32, #tpu.memory_space<vmem>> -> memref<128x64xf32, #tpu.memory_space<vmem>>
      %dma_wait3A_401 = arith.constant 0 : i32
      %dma_wait3A_402 = tpu.memref_slice %arg5[%dma_wait3A_395, %dma_wait3A_401] : memref<80x128xi32, #tpu.memory_space<vmem>> -> memref<1x128xi32, #tpu.memory_space<vmem>>
      %dma_wait3A_403 = tpu.memref_squeeze %dma_wait3A_402 : memref<1x128xi32, #tpu.memory_space<vmem>> -> memref<128xi32, #tpu.memory_space<vmem>>
      %dma_wait3A_404 = arith.constant 0 : i32
      %dma_wait3A_405 = arith.constant 0 : i32
      %dma_wait3A_406 = tpu.memref_slice %arg3[%dma_wait3A_404, %dma_wait3A_405] : memref<1007616x64xf32, #tpu.memory_space<hbm>> -> memref<1007616x64xf32, #tpu.memory_space<hbm>>
      tpu.wait_indirect_dma semaphore(%arg12 : memref<!tpu.dma_semaphore, #tpu.memory_space<semaphore_mem>>) src(%dma_wait3A_406 : memref<1007616x64xf32, #tpu.memory_space<hbm>>) dst(%dma_wait3A_400 : memref<128x64xf32, #tpu.memory_space<vmem>>)
      %gt3A_407 = arith.constant 0 : i32
      %gt3A_408 = arith.cmpi sgt, %add3A_174, %gt3A_407 : i32
      %convert_element_type3A_409 = arith.extui %gt3A_408 : i1 to i32
      %cond3A_410 = arith.constant 0 : i32
      %cond3A_411 = arith.cmpi ne, %convert_element_type3A_409, %cond3A_410 : i32
      scf.if %cond3A_411 {
        %dma_wait3A_446 = arith.constant 4 : i32
        %dma_wait3A_447 = arith.constant 0 : i32
        %dma_wait3A_448 = arith.constant 0 : i32
        %dma_wait3A_449 = arith.constant 0 : i32
        %dma_wait3A_450 = tpu.memref_slice %arg7[%dma_wait3A_446, %dma_wait3A_447, %dma_wait3A_448, %dma_wait3A_449] : memref<5x8x8x128xf32, #tpu.memory_space<vmem>> -> memref<1x8x8x128xf32, #tpu.memory_space<vmem>>
        %dma_wait3A_451 = tpu.memref_squeeze %dma_wait3A_450 : memref<1x8x8x128xf32, #tpu.memory_space<vmem>> -> memref<8x8x128xf32, #tpu.memory_space<vmem>>
        %dma_wait3A_452 = arith.constant 0 : i32
        %dma_wait3A_453 = arith.constant 0 : i32
        %dma_wait3A_454 = arith.constant 0 : i32
        %dma_wait3A_455 = tpu.memref_slice %arg4[%dma_wait3A_452, %mul3A_2, %dma_wait3A_453, %dma_wait3A_454] : memref<8x2560x8x128xf32, #tpu.memory_space<hbm>> -> memref<8x1x8x128xf32, #tpu.memory_space<hbm>>
        %dma_wait3A_456 = tpu.memref_squeeze %dma_wait3A_455 : memref<8x1x8x128xf32, #tpu.memory_space<hbm>> -> memref<8x8x128xf32, #tpu.memory_space<hbm>>
        %dma_wait3A_457 = arith.constant 0 : i32
        %dma_wait3A_458 = arith.constant 0 : i32
        %dma_wait3A_459 = arith.constant 0 : i32
        %dma_wait3A_460 = tpu.memref_slice %arg4[%dma_wait3A_457, %mul3A_2, %dma_wait3A_458, %dma_wait3A_459] : memref<8x2560x8x128xf32, #tpu.memory_space<hbm>> -> memref<8x1x8x128xf32, #tpu.memory_space<hbm>>
        %dma_wait3A_461 = tpu.memref_squeeze %dma_wait3A_460 : memref<8x1x8x128xf32, #tpu.memory_space<hbm>> -> memref<8x8x128xf32, #tpu.memory_space<hbm>>
        %dma_wait3A_462 = arith.constant 0 : i32
        %dma_wait3A_463 = arith.constant 0 : i32
        %dma_wait3A_464 = arith.constant 0 : i32
        %dma_wait3A_465 = tpu.memref_slice %arg7[%dma_wait3A_446, %dma_wait3A_462, %dma_wait3A_463, %dma_wait3A_464] : memref<5x8x8x128xf32, #tpu.memory_space<vmem>> -> memref<1x8x8x128xf32, #tpu.memory_space<vmem>>
        %dma_wait3A_466 = tpu.memref_squeeze %dma_wait3A_465 : memref<1x8x8x128xf32, #tpu.memory_space<vmem>> -> memref<8x8x128xf32, #tpu.memory_space<vmem>>
        tpu.wait_dma2 semaphore(%arg17 : memref<!tpu.dma_semaphore, #tpu.memory_space<semaphore_mem>>) src(%dma_wait3A_466 : memref<8x8x128xf32, #tpu.memory_space<vmem>>) dst(%dma_wait3A_461 : memref<8x8x128xf32, #tpu.memory_space<hbm>>)
      } else {
      }
      %scan3A_412 = arith.constant 4 : i32
      %scan3A_413 = arith.constant 4 : i32
      %scan3A_414 = arith.constant 0 : i32
      %scan3A_415 = arith.constant 64 : i32
      %scan3A_416 = arith.addi %scan3A_414, %scan3A_415 : i32
      %scan3A_417 = arith.constant 1 : i32
      scf.for %scan3A_446 = %scan3A_414 to %scan3A_416 step %scan3A_417  : i32 {
        %mul3A_447 = arith.constant 1 : i32
        %mul3A_448 = arith.muli %scan3A_446, %mul3A_447 : i32
        %add3A_449 = arith.constant 0 : i32
        %add3A_450 = arith.addi %add3A_449, %mul3A_448 : i32
        %add3A_451 = vector.broadcast %add3A_450 : i32 to vector<16xi32>
        %add3A_452 = arith.addi %add3A_451, %iota3A : vector<16xi32>
        %and3A = arith.constant 63 : i32
        %and3A_453 = vector.broadcast %and3A : i32 to vector<16xi32>
        %and3A_454 = arith.andi %add3A_452, %and3A_453 : vector<16xi32>
        %shift_right_arithmetic3A = arith.constant 3 : i32
        %shift_right_arithmetic3A_455 = vector.broadcast %shift_right_arithmetic3A : i32 to vector<16xi32>
        %shift_right_arithmetic3A_456 = arith.shrsi %and3A_454, %shift_right_arithmetic3A_455 : vector<16xi32>
        %and3A_457 = arith.constant 7 : i32
        %and3A_458 = vector.broadcast %and3A_457 : i32 to vector<16xi32>
        %and3A_459 = arith.andi %and3A_454, %and3A_458 : vector<16xi32>
        %add3A_460 = arith.constant 0 : i32
        %add3A_461 = vector.broadcast %add3A_460 : i32 to vector<16xi32>
        %add3A_462 = arith.addi %iota3A, %add3A_461 : vector<16xi32>
        %gather3A = arith.constant 0 : i32
        %gather3A_463 = arith.constant 0 : i32
        %gather3A_464 = tpu.memref_slice %arg6[%scan3A_412, %gather3A, %gather3A_463] : memref<5x128x64xf32, #tpu.memory_space<vmem>> -> memref<1x128x64xf32, #tpu.memory_space<vmem>>
        %gather3A_465 = tpu.memref_squeeze %gather3A_464 : memref<1x128x64xf32, #tpu.memory_space<vmem>> -> memref<128x64xf32, #tpu.memory_space<vmem>>
        %gather3A_466 = tpu.vector_load_idx %gather3A_465[%add3A_462, %and3A_454] : memref<128x64xf32, #tpu.memory_space<vmem>>[vector<16xi32>, vector<16xi32>], vector<16xf32>,
        %scatter3A = arith.constant 0 : i32
        %scatter3A_467 = arith.constant 0 : i32
        %scatter3A_468 = arith.constant 0 : i32
        %scatter3A_469 = tpu.memref_slice %arg7[%scan3A_413, %scatter3A, %scatter3A_467, %scatter3A_468] : memref<5x8x8x128xf32, #tpu.memory_space<vmem>> -> memref<1x8x8x128xf32, #tpu.memory_space<vmem>>
        %scatter3A_470 = tpu.memref_squeeze %scatter3A_469 : memref<1x8x8x128xf32, #tpu.memory_space<vmem>> -> memref<8x8x128xf32, #tpu.memory_space<vmem>>
        tpu.vector_store_idx %scatter3A_470[%shift_right_arithmetic3A_456, %and3A_459, %add3A_462], %gather3A_466 : memref<8x8x128xf32, #tpu.memory_space<vmem>>[vector<16xi32>, vector<16xi32>, vector<16xi32>], vector<16xf32>,
        %add3A_471 = arith.constant 16 : i32
        %add3A_472 = vector.broadcast %add3A_471 : i32 to vector<16xi32>
        %add3A_473 = arith.addi %iota3A, %add3A_472 : vector<16xi32>
        %gather3A_474 = arith.constant 0 : i32
        %gather3A_475 = arith.constant 0 : i32
        %gather3A_476 = tpu.memref_slice %arg6[%scan3A_412, %gather3A_474, %gather3A_475] : memref<5x128x64xf32, #tpu.memory_space<vmem>> -> memref<1x128x64xf32, #tpu.memory_space<vmem>>
        %gather3A_477 = tpu.memref_squeeze %gather3A_476 : memref<1x128x64xf32, #tpu.memory_space<vmem>> -> memref<128x64xf32, #tpu.memory_space<vmem>>
        %gather3A_478 = tpu.vector_load_idx %gather3A_477[%add3A_473, %and3A_454] : memref<128x64xf32, #tpu.memory_space<vmem>>[vector<16xi32>, vector<16xi32>], vector<16xf32>,
        %scatter3A_479 = arith.constant 0 : i32
        %scatter3A_480 = arith.constant 0 : i32
        %scatter3A_481 = arith.constant 0 : i32
        %scatter3A_482 = tpu.memref_slice %arg7[%scan3A_413, %scatter3A_479, %scatter3A_480, %scatter3A_481] : memref<5x8x8x128xf32, #tpu.memory_space<vmem>> -> memref<1x8x8x128xf32, #tpu.memory_space<vmem>>
        %scatter3A_483 = tpu.memref_squeeze %scatter3A_482 : memref<1x8x8x128xf32, #tpu.memory_space<vmem>> -> memref<8x8x128xf32, #tpu.memory_space<vmem>>
        tpu.vector_store_idx %scatter3A_483[%shift_right_arithmetic3A_456, %and3A_459, %add3A_473], %gather3A_478 : memref<8x8x128xf32, #tpu.memory_space<vmem>>[vector<16xi32>, vector<16xi32>, vector<16xi32>], vector<16xf32>,
        %add3A_484 = arith.constant 32 : i32
        %add3A_485 = vector.broadcast %add3A_484 : i32 to vector<16xi32>
        %add3A_486 = arith.addi %iota3A, %add3A_485 : vector<16xi32>
        %gather3A_487 = arith.constant 0 : i32
        %gather3A_488 = arith.constant 0 : i32
        %gather3A_489 = tpu.memref_slice %arg6[%scan3A_412, %gather3A_487, %gather3A_488] : memref<5x128x64xf32, #tpu.memory_space<vmem>> -> memref<1x128x64xf32, #tpu.memory_space<vmem>>
        %gather3A_490 = tpu.memref_squeeze %gather3A_489 : memref<1x128x64xf32, #tpu.memory_space<vmem>> -> memref<128x64xf32, #tpu.memory_space<vmem>>
        %gather3A_491 = tpu.vector_load_idx %gather3A_490[%add3A_486, %and3A_454] : memref<128x64xf32, #tpu.memory_space<vmem>>[vector<16xi32>, vector<16xi32>], vector<16xf32>,
        %scatter3A_492 = arith.constant 0 : i32
        %scatter3A_493 = arith.constant 0 : i32
        %scatter3A_494 = arith.constant 0 : i32
        %scatter3A_495 = tpu.memref_slice %arg7[%scan3A_413, %scatter3A_492, %scatter3A_493, %scatter3A_494] : memref<5x8x8x128xf32, #tpu.memory_space<vmem>> -> memref<1x8x8x128xf32, #tpu.memory_space<vmem>>
        %scatter3A_496 = tpu.memref_squeeze %scatter3A_495 : memref<1x8x8x128xf32, #tpu.memory_space<vmem>> -> memref<8x8x128xf32, #tpu.memory_space<vmem>>
        tpu.vector_store_idx %scatter3A_496[%shift_right_arithmetic3A_456, %and3A_459, %add3A_486], %gather3A_491 : memref<8x8x128xf32, #tpu.memory_space<vmem>>[vector<16xi32>, vector<16xi32>, vector<16xi32>], vector<16xf32>,
        %add3A_497 = arith.constant 48 : i32
        %add3A_498 = vector.broadcast %add3A_497 : i32 to vector<16xi32>
        %add3A_499 = arith.addi %iota3A, %add3A_498 : vector<16xi32>
        %gather3A_500 = arith.constant 0 : i32
        %gather3A_501 = arith.constant 0 : i32
        %gather3A_502 = tpu.memref_slice %arg6[%scan3A_412, %gather3A_500, %gather3A_501] : memref<5x128x64xf32, #tpu.memory_space<vmem>> -> memref<1x128x64xf32, #tpu.memory_space<vmem>>
        %gather3A_503 = tpu.memref_squeeze %gather3A_502 : memref<1x128x64xf32, #tpu.memory_space<vmem>> -> memref<128x64xf32, #tpu.memory_space<vmem>>
        %gather3A_504 = tpu.vector_load_idx %gather3A_503[%add3A_499, %and3A_454] : memref<128x64xf32, #tpu.memory_space<vmem>>[vector<16xi32>, vector<16xi32>], vector<16xf32>,
        %scatter3A_505 = arith.constant 0 : i32
        %scatter3A_506 = arith.constant 0 : i32
        %scatter3A_507 = arith.constant 0 : i32
        %scatter3A_508 = tpu.memref_slice %arg7[%scan3A_413, %scatter3A_505, %scatter3A_506, %scatter3A_507] : memref<5x8x8x128xf32, #tpu.memory_space<vmem>> -> memref<1x8x8x128xf32, #tpu.memory_space<vmem>>
        %scatter3A_509 = tpu.memref_squeeze %scatter3A_508 : memref<1x8x8x128xf32, #tpu.memory_space<vmem>> -> memref<8x8x128xf32, #tpu.memory_space<vmem>>
        tpu.vector_store_idx %scatter3A_509[%shift_right_arithmetic3A_456, %and3A_459, %add3A_499], %gather3A_504 : memref<8x8x128xf32, #tpu.memory_space<vmem>>[vector<16xi32>, vector<16xi32>, vector<16xi32>], vector<16xf32>,
        %add3A_510 = arith.constant 64 : i32
        %add3A_511 = vector.broadcast %add3A_510 : i32 to vector<16xi32>
        %add3A_512 = arith.addi %iota3A, %add3A_511 : vector<16xi32>
        %gather3A_513 = arith.constant 0 : i32
        %gather3A_514 = arith.constant 0 : i32
        %gather3A_515 = tpu.memref_slice %arg6[%scan3A_412, %gather3A_513, %gather3A_514] : memref<5x128x64xf32, #tpu.memory_space<vmem>> -> memref<1x128x64xf32, #tpu.memory_space<vmem>>
        %gather3A_516 = tpu.memref_squeeze %gather3A_515 : memref<1x128x64xf32, #tpu.memory_space<vmem>> -> memref<128x64xf32, #tpu.memory_space<vmem>>
        %gather3A_517 = tpu.vector_load_idx %gather3A_516[%add3A_512, %and3A_454] : memref<128x64xf32, #tpu.memory_space<vmem>>[vector<16xi32>, vector<16xi32>], vector<16xf32>,
        %scatter3A_518 = arith.constant 0 : i32
        %scatter3A_519 = arith.constant 0 : i32
        %scatter3A_520 = arith.constant 0 : i32
        %scatter3A_521 = tpu.memref_slice %arg7[%scan3A_413, %scatter3A_518, %scatter3A_519, %scatter3A_520] : memref<5x8x8x128xf32, #tpu.memory_space<vmem>> -> memref<1x8x8x128xf32, #tpu.memory_space<vmem>>
        %scatter3A_522 = tpu.memref_squeeze %scatter3A_521 : memref<1x8x8x128xf32, #tpu.memory_space<vmem>> -> memref<8x8x128xf32, #tpu.memory_space<vmem>>
        tpu.vector_store_idx %scatter3A_522[%shift_right_arithmetic3A_456, %and3A_459, %add3A_512], %gather3A_517 : memref<8x8x128xf32, #tpu.memory_space<vmem>>[vector<16xi32>, vector<16xi32>, vector<16xi32>], vector<16xf32>,
        %add3A_523 = arith.constant 80 : i32
        %add3A_524 = vector.broadcast %add3A_523 : i32 to vector<16xi32>
        %add3A_525 = arith.addi %iota3A, %add3A_524 : vector<16xi32>
        %gather3A_526 = arith.constant 0 : i32
        %gather3A_527 = arith.constant 0 : i32
        %gather3A_528 = tpu.memref_slice %arg6[%scan3A_412, %gather3A_526, %gather3A_527] : memref<5x128x64xf32, #tpu.memory_space<vmem>> -> memref<1x128x64xf32, #tpu.memory_space<vmem>>
        %gather3A_529 = tpu.memref_squeeze %gather3A_528 : memref<1x128x64xf32, #tpu.memory_space<vmem>> -> memref<128x64xf32, #tpu.memory_space<vmem>>
        %gather3A_530 = tpu.vector_load_idx %gather3A_529[%add3A_525, %and3A_454] : memref<128x64xf32, #tpu.memory_space<vmem>>[vector<16xi32>, vector<16xi32>], vector<16xf32>,
        %scatter3A_531 = arith.constant 0 : i32
        %scatter3A_532 = arith.constant 0 : i32
        %scatter3A_533 = arith.constant 0 : i32
        %scatter3A_534 = tpu.memref_slice %arg7[%scan3A_413, %scatter3A_531, %scatter3A_532, %scatter3A_533] : memref<5x8x8x128xf32, #tpu.memory_space<vmem>> -> memref<1x8x8x128xf32, #tpu.memory_space<vmem>>
        %scatter3A_535 = tpu.memref_squeeze %scatter3A_534 : memref<1x8x8x128xf32, #tpu.memory_space<vmem>> -> memref<8x8x128xf32, #tpu.memory_space<vmem>>
        tpu.vector_store_idx %scatter3A_535[%shift_right_arithmetic3A_456, %and3A_459, %add3A_525], %gather3A_530 : memref<8x8x128xf32, #tpu.memory_space<vmem>>[vector<16xi32>, vector<16xi32>, vector<16xi32>], vector<16xf32>,
        %add3A_536 = arith.constant 96 : i32
        %add3A_537 = vector.broadcast %add3A_536 : i32 to vector<16xi32>
        %add3A_538 = arith.addi %iota3A, %add3A_537 : vector<16xi32>
        %gather3A_539 = arith.constant 0 : i32
        %gather3A_540 = arith.constant 0 : i32
        %gather3A_541 = tpu.memref_slice %arg6[%scan3A_412, %gather3A_539, %gather3A_540] : memref<5x128x64xf32, #tpu.memory_space<vmem>> -> memref<1x128x64xf32, #tpu.memory_space<vmem>>
        %gather3A_542 = tpu.memref_squeeze %gather3A_541 : memref<1x128x64xf32, #tpu.memory_space<vmem>> -> memref<128x64xf32, #tpu.memory_space<vmem>>
        %gather3A_543 = tpu.vector_load_idx %gather3A_542[%add3A_538, %and3A_454] : memref<128x64xf32, #tpu.memory_space<vmem>>[vector<16xi32>, vector<16xi32>], vector<16xf32>,
        %scatter3A_544 = arith.constant 0 : i32
        %scatter3A_545 = arith.constant 0 : i32
        %scatter3A_546 = arith.constant 0 : i32
        %scatter3A_547 = tpu.memref_slice %arg7[%scan3A_413, %scatter3A_544, %scatter3A_545, %scatter3A_546] : memref<5x8x8x128xf32, #tpu.memory_space<vmem>> -> memref<1x8x8x128xf32, #tpu.memory_space<vmem>>
        %scatter3A_548 = tpu.memref_squeeze %scatter3A_547 : memref<1x8x8x128xf32, #tpu.memory_space<vmem>> -> memref<8x8x128xf32, #tpu.memory_space<vmem>>
        tpu.vector_store_idx %scatter3A_548[%shift_right_arithmetic3A_456, %and3A_459, %add3A_538], %gather3A_543 : memref<8x8x128xf32, #tpu.memory_space<vmem>>[vector<16xi32>, vector<16xi32>, vector<16xi32>], vector<16xf32>,
        %add3A_549 = arith.constant 112 : i32
        %add3A_550 = vector.broadcast %add3A_549 : i32 to vector<16xi32>
        %add3A_551 = arith.addi %iota3A, %add3A_550 : vector<16xi32>
        %gather3A_552 = arith.constant 0 : i32
        %gather3A_553 = arith.constant 0 : i32
        %gather3A_554 = tpu.memref_slice %arg6[%scan3A_412, %gather3A_552, %gather3A_553] : memref<5x128x64xf32, #tpu.memory_space<vmem>> -> memref<1x128x64xf32, #tpu.memory_space<vmem>>
        %gather3A_555 = tpu.memref_squeeze %gather3A_554 : memref<1x128x64xf32, #tpu.memory_space<vmem>> -> memref<128x64xf32, #tpu.memory_space<vmem>>
        %gather3A_556 = tpu.vector_load_idx %gather3A_555[%add3A_551, %and3A_454] : memref<128x64xf32, #tpu.memory_space<vmem>>[vector<16xi32>, vector<16xi32>], vector<16xf32>,
        %scatter3A_557 = arith.constant 0 : i32
        %scatter3A_558 = arith.constant 0 : i32
        %scatter3A_559 = arith.constant 0 : i32
        %scatter3A_560 = tpu.memref_slice %arg7[%scan3A_413, %scatter3A_557, %scatter3A_558, %scatter3A_559] : memref<5x8x8x128xf32, #tpu.memory_space<vmem>> -> memref<1x8x8x128xf32, #tpu.memory_space<vmem>>
        %scatter3A_561 = tpu.memref_squeeze %scatter3A_560 : memref<1x8x8x128xf32, #tpu.memory_space<vmem>> -> memref<8x8x128xf32, #tpu.memory_space<vmem>>
        tpu.vector_store_idx %scatter3A_561[%shift_right_arithmetic3A_456, %and3A_459, %add3A_551], %gather3A_556 : memref<8x8x128xf32, #tpu.memory_space<vmem>>[vector<16xi32>, vector<16xi32>, vector<16xi32>], vector<16xf32>,
      }
      %scan3A_418 = arith.constant 64 : i32
      %add3A_419 = arith.addi %mul3A_2, %add3A_394 : i32
      %dma_start3A_420 = arith.constant 4 : i32
      %dma_start3A_421 = arith.constant 0 : i32
      %dma_start3A_422 = arith.constant 0 : i32
      %dma_start3A_423 = arith.constant 0 : i32
      %dma_start3A_424 = tpu.memref_slice %arg7[%dma_start3A_420, %dma_start3A_421, %dma_start3A_422, %dma_start3A_423] : memref<5x8x8x128xf32, #tpu.memory_space<vmem>> -> memref<1x8x8x128xf32, #tpu.memory_space<vmem>>
      %dma_start3A_425 = tpu.memref_squeeze %dma_start3A_424 : memref<1x8x8x128xf32, #tpu.memory_space<vmem>> -> memref<8x8x128xf32, #tpu.memory_space<vmem>>
      %dma_start3A_426 = arith.constant 0 : i32
      %dma_start3A_427 = arith.constant 0 : i32
      %dma_start3A_428 = arith.constant 0 : i32
      %dma_start3A_429 = tpu.memref_slice %arg4[%dma_start3A_426, %add3A_419, %dma_start3A_427, %dma_start3A_428] : memref<8x2560x8x128xf32, #tpu.memory_space<hbm>> -> memref<8x1x8x128xf32, #tpu.memory_space<hbm>>
      %dma_start3A_430 = tpu.memref_squeeze %dma_start3A_429 : memref<8x1x8x128xf32, #tpu.memory_space<hbm>> -> memref<8x8x128xf32, #tpu.memory_space<hbm>>
      %dma_start3A_431 = arith.constant 0 : i32
      %dma_start3A_432 = arith.constant 0 : i32
      %dma_start3A_433 = arith.constant 0 : i32
      %dma_start3A_434 = tpu.memref_slice %arg4[%dma_start3A_431, %add3A_419, %dma_start3A_432, %dma_start3A_433] : memref<8x2560x8x128xf32, #tpu.memory_space<hbm>> -> memref<8x1x8x128xf32, #tpu.memory_space<hbm>>
      %dma_start3A_435 = tpu.memref_squeeze %dma_start3A_434 : memref<8x1x8x128xf32, #tpu.memory_space<hbm>> -> memref<8x8x128xf32, #tpu.memory_space<hbm>>
      %dma_start3A_436 = arith.constant 0 : i32
      %dma_start3A_437 = arith.constant 0 : i32
      %dma_start3A_438 = arith.constant 0 : i32
      %dma_start3A_439 = tpu.memref_slice %arg7[%dma_start3A_420, %dma_start3A_436, %dma_start3A_437, %dma_start3A_438] : memref<5x8x8x128xf32, #tpu.memory_space<vmem>> -> memref<1x8x8x128xf32, #tpu.memory_space<vmem>>
      %dma_start3A_440 = tpu.memref_squeeze %dma_start3A_439 : memref<1x8x8x128xf32, #tpu.memory_space<vmem>> -> memref<8x8x128xf32, #tpu.memory_space<vmem>>
      tpu.enqueue_dma source(%dma_start3A_440 : memref<8x8x128xf32, #tpu.memory_space<vmem>>) target(%dma_start3A_435 : memref<8x8x128xf32, #tpu.memory_space<hbm>>) target_semaphore(%arg17 : memref<!tpu.dma_semaphore, #tpu.memory_space<semaphore_mem>>)
      %lt3A_441 = arith.constant 15 : i32
      %lt3A_442 = arith.cmpi slt, %add3A_174, %lt3A_441 : i32
      %convert_element_type3A_443 = arith.extui %lt3A_442 : i1 to i32
      %cond3A_444 = arith.constant 0 : i32
      %cond3A_445 = arith.cmpi ne, %convert_element_type3A_443, %cond3A_444 : i32
      scf.if %cond3A_445 {
        %add3A_446 = arith.constant 5 : i32
        %add3A_447 = arith.addi %add3A_394, %add3A_446 : i32
        %dma_start3A_448 = arith.constant 4 : i32
        %dma_start3A_449 = arith.constant 0 : i32
        %dma_start3A_450 = arith.constant 0 : i32
        %dma_start3A_451 = tpu.memref_slice %arg6[%dma_start3A_448, %dma_start3A_449, %dma_start3A_450] : memref<5x128x64xf32, #tpu.memory_space<vmem>> -> memref<1x128x64xf32, #tpu.memory_space<vmem>>
        %dma_start3A_452 = tpu.memref_squeeze %dma_start3A_451 : memref<1x128x64xf32, #tpu.memory_space<vmem>> -> memref<128x64xf32, #tpu.memory_space<vmem>>
        %dma_start3A_453 = arith.constant 0 : i32
        %dma_start3A_454 = tpu.memref_slice %arg5[%add3A_447, %dma_start3A_453] : memref<80x128xi32, #tpu.memory_space<vmem>> -> memref<1x128xi32, #tpu.memory_space<vmem>>
        %dma_start3A_455 = tpu.memref_squeeze %dma_start3A_454 : memref<1x128xi32, #tpu.memory_space<vmem>> -> memref<128xi32, #tpu.memory_space<vmem>>
        %dma_start3A_456 = arith.constant 0 : i32
        %dma_start3A_457 = arith.constant 0 : i32
        %dma_start3A_458 = tpu.memref_slice %arg3[%dma_start3A_456, %dma_start3A_457] : memref<1007616x64xf32, #tpu.memory_space<hbm>> -> memref<1007616x64xf32, #tpu.memory_space<hbm>>
        tpu.enqueue_indirect_dma source(%dma_start3A_458 : memref<1007616x64xf32, #tpu.memory_space<hbm>>) target(%dma_start3A_452 : memref<128x64xf32, #tpu.memory_space<vmem>>) offsets(%dma_start3A_455 : memref<128xi32, #tpu.memory_space<vmem>>) semaphore(%arg12 : memref<!tpu.dma_semaphore, #tpu.memory_space<semaphore_mem>>)
      } else {
      }
    }
    %scan3A_65 = arith.constant 16 : i32
    %dma_wait3A = arith.constant 0 : i32
    %dma_wait3A_66 = arith.constant 0 : i32
    %dma_wait3A_67 = arith.constant 0 : i32
    %dma_wait3A_68 = arith.constant 0 : i32
    %dma_wait3A_69 = tpu.memref_slice %arg7[%dma_wait3A, %dma_wait3A_66, %dma_wait3A_67, %dma_wait3A_68] : memref<5x8x8x128xf32, #tpu.memory_space<vmem>> -> memref<1x8x8x128xf32, #tpu.memory_space<vmem>>
    %dma_wait3A_70 = tpu.memref_squeeze %dma_wait3A_69 : memref<1x8x8x128xf32, #tpu.memory_space<vmem>> -> memref<8x8x128xf32, #tpu.memory_space<vmem>>
    %dma_wait3A_71 = arith.constant 0 : i32
    %dma_wait3A_72 = arith.constant 0 : i32
    %dma_wait3A_73 = arith.constant 0 : i32
    %dma_wait3A_74 = tpu.memref_slice %arg4[%dma_wait3A_71, %mul3A_2, %dma_wait3A_72, %dma_wait3A_73] : memref<8x2560x8x128xf32, #tpu.memory_space<hbm>> -> memref<8x1x8x128xf32, #tpu.memory_space<hbm>>
    %dma_wait3A_75 = tpu.memref_squeeze %dma_wait3A_74 : memref<8x1x8x128xf32, #tpu.memory_space<hbm>> -> memref<8x8x128xf32, #tpu.memory_space<hbm>>
    %dma_wait3A_76 = arith.constant 0 : i32
    %dma_wait3A_77 = arith.constant 0 : i32
    %dma_wait3A_78 = arith.constant 0 : i32
    %dma_wait3A_79 = tpu.memref_slice %arg4[%dma_wait3A_76, %mul3A_2, %dma_wait3A_77, %dma_wait3A_78] : memref<8x2560x8x128xf32, #tpu.memory_space<hbm>> -> memref<8x1x8x128xf32, #tpu.memory_space<hbm>>
    %dma_wait3A_80 = tpu.memref_squeeze %dma_wait3A_79 : memref<8x1x8x128xf32, #tpu.memory_space<hbm>> -> memref<8x8x128xf32, #tpu.memory_space<hbm>>
    %dma_wait3A_81 = arith.constant 0 : i32
    %dma_wait3A_82 = arith.constant 0 : i32
    %dma_wait3A_83 = arith.constant 0 : i32
    %dma_wait3A_84 = tpu.memref_slice %arg7[%dma_wait3A, %dma_wait3A_81, %dma_wait3A_82, %dma_wait3A_83] : memref<5x8x8x128xf32, #tpu.memory_space<vmem>> -> memref<1x8x8x128xf32, #tpu.memory_space<vmem>>
    %dma_wait3A_85 = tpu.memref_squeeze %dma_wait3A_84 : memref<1x8x8x128xf32, #tpu.memory_space<vmem>> -> memref<8x8x128xf32, #tpu.memory_space<vmem>>
    tpu.wait_dma2 semaphore(%arg13 : memref<!tpu.dma_semaphore, #tpu.memory_space<semaphore_mem>>) src(%dma_wait3A_85 : memref<8x8x128xf32, #tpu.memory_space<vmem>>) dst(%dma_wait3A_80 : memref<8x8x128xf32, #tpu.memory_space<hbm>>)
    %dma_wait3A_86 = arith.constant 1 : i32
    %dma_wait3A_87 = arith.constant 0 : i32
    %dma_wait3A_88 = arith.constant 0 : i32
    %dma_wait3A_89 = arith.constant 0 : i32
    %dma_wait3A_90 = tpu.memref_slice %arg7[%dma_wait3A_86, %dma_wait3A_87, %dma_wait3A_88, %dma_wait3A_89] : memref<5x8x8x128xf32, #tpu.memory_space<vmem>> -> memref<1x8x8x128xf32, #tpu.memory_space<vmem>>
    %dma_wait3A_91 = tpu.memref_squeeze %dma_wait3A_90 : memref<1x8x8x128xf32, #tpu.memory_space<vmem>> -> memref<8x8x128xf32, #tpu.memory_space<vmem>>
    %dma_wait3A_92 = arith.constant 0 : i32
    %dma_wait3A_93 = arith.constant 0 : i32
    %dma_wait3A_94 = arith.constant 0 : i32
    %dma_wait3A_95 = tpu.memref_slice %arg4[%dma_wait3A_92, %mul3A_2, %dma_wait3A_93, %dma_wait3A_94] : memref<8x2560x8x128xf32, #tpu.memory_space<hbm>> -> memref<8x1x8x128xf32, #tpu.memory_space<hbm>>
    %dma_wait3A_96 = tpu.memref_squeeze %dma_wait3A_95 : memref<8x1x8x128xf32, #tpu.memory_space<hbm>> -> memref<8x8x128xf32, #tpu.memory_space<hbm>>
    %dma_wait3A_97 = arith.constant 0 : i32
    %dma_wait3A_98 = arith.constant 0 : i32
    %dma_wait3A_99 = arith.constant 0 : i32
    %dma_wait3A_100 = tpu.memref_slice %arg4[%dma_wait3A_97, %mul3A_2, %dma_wait3A_98, %dma_wait3A_99] : memref<8x2560x8x128xf32, #tpu.memory_space<hbm>> -> memref<8x1x8x128xf32, #tpu.memory_space<hbm>>
    %dma_wait3A_101 = tpu.memref_squeeze %dma_wait3A_100 : memref<8x1x8x128xf32, #tpu.memory_space<hbm>> -> memref<8x8x128xf32, #tpu.memory_space<hbm>>
    %dma_wait3A_102 = arith.constant 0 : i32
    %dma_wait3A_103 = arith.constant 0 : i32
    %dma_wait3A_104 = arith.constant 0 : i32
    %dma_wait3A_105 = tpu.memref_slice %arg7[%dma_wait3A_86, %dma_wait3A_102, %dma_wait3A_103, %dma_wait3A_104] : memref<5x8x8x128xf32, #tpu.memory_space<vmem>> -> memref<1x8x8x128xf32, #tpu.memory_space<vmem>>
    %dma_wait3A_106 = tpu.memref_squeeze %dma_wait3A_105 : memref<1x8x8x128xf32, #tpu.memory_space<vmem>> -> memref<8x8x128xf32, #tpu.memory_space<vmem>>
    tpu.wait_dma2 semaphore(%arg14 : memref<!tpu.dma_semaphore, #tpu.memory_space<semaphore_mem>>) src(%dma_wait3A_106 : memref<8x8x128xf32, #tpu.memory_space<vmem>>) dst(%dma_wait3A_101 : memref<8x8x128xf32, #tpu.memory_space<hbm>>)
    %dma_wait3A_107 = arith.constant 2 : i32
    %dma_wait3A_108 = arith.constant 0 : i32
    %dma_wait3A_109 = arith.constant 0 : i32
    %dma_wait3A_110 = arith.constant 0 : i32
    %dma_wait3A_111 = tpu.memref_slice %arg7[%dma_wait3A_107, %dma_wait3A_108, %dma_wait3A_109, %dma_wait3A_110] : memref<5x8x8x128xf32, #tpu.memory_space<vmem>> -> memref<1x8x8x128xf32, #tpu.memory_space<vmem>>
    %dma_wait3A_112 = tpu.memref_squeeze %dma_wait3A_111 : memref<1x8x8x128xf32, #tpu.memory_space<vmem>> -> memref<8x8x128xf32, #tpu.memory_space<vmem>>
    %dma_wait3A_113 = arith.constant 0 : i32
    %dma_wait3A_114 = arith.constant 0 : i32
    %dma_wait3A_115 = arith.constant 0 : i32
    %dma_wait3A_116 = tpu.memref_slice %arg4[%dma_wait3A_113, %mul3A_2, %dma_wait3A_114, %dma_wait3A_115] : memref<8x2560x8x128xf32, #tpu.memory_space<hbm>> -> memref<8x1x8x128xf32, #tpu.memory_space<hbm>>
    %dma_wait3A_117 = tpu.memref_squeeze %dma_wait3A_116 : memref<8x1x8x128xf32, #tpu.memory_space<hbm>> -> memref<8x8x128xf32, #tpu.memory_space<hbm>>
    %dma_wait3A_118 = arith.constant 0 : i32
    %dma_wait3A_119 = arith.constant 0 : i32
    %dma_wait3A_120 = arith.constant 0 : i32
    %dma_wait3A_121 = tpu.memref_slice %arg4[%dma_wait3A_118, %mul3A_2, %dma_wait3A_119, %dma_wait3A_120] : memref<8x2560x8x128xf32, #tpu.memory_space<hbm>> -> memref<8x1x8x128xf32, #tpu.memory_space<hbm>>
    %dma_wait3A_122 = tpu.memref_squeeze %dma_wait3A_121 : memref<8x1x8x128xf32, #tpu.memory_space<hbm>> -> memref<8x8x128xf32, #tpu.memory_space<hbm>>
    %dma_wait3A_123 = arith.constant 0 : i32
    %dma_wait3A_124 = arith.constant 0 : i32
    %dma_wait3A_125 = arith.constant 0 : i32
    %dma_wait3A_126 = tpu.memref_slice %arg7[%dma_wait3A_107, %dma_wait3A_123, %dma_wait3A_124, %dma_wait3A_125] : memref<5x8x8x128xf32, #tpu.memory_space<vmem>> -> memref<1x8x8x128xf32, #tpu.memory_space<vmem>>
    %dma_wait3A_127 = tpu.memref_squeeze %dma_wait3A_126 : memref<1x8x8x128xf32, #tpu.memory_space<vmem>> -> memref<8x8x128xf32, #tpu.memory_space<vmem>>
    tpu.wait_dma2 semaphore(%arg15 : memref<!tpu.dma_semaphore, #tpu.memory_space<semaphore_mem>>) src(%dma_wait3A_127 : memref<8x8x128xf32, #tpu.memory_space<vmem>>) dst(%dma_wait3A_122 : memref<8x8x128xf32, #tpu.memory_space<hbm>>)
    %dma_wait3A_128 = arith.constant 3 : i32
    %dma_wait3A_129 = arith.constant 0 : i32
    %dma_wait3A_130 = arith.constant 0 : i32
    %dma_wait3A_131 = arith.constant 0 : i32
    %dma_wait3A_132 = tpu.memref_slice %arg7[%dma_wait3A_128, %dma_wait3A_129, %dma_wait3A_130, %dma_wait3A_131] : memref<5x8x8x128xf32, #tpu.memory_space<vmem>> -> memref<1x8x8x128xf32, #tpu.memory_space<vmem>>
    %dma_wait3A_133 = tpu.memref_squeeze %dma_wait3A_132 : memref<1x8x8x128xf32, #tpu.memory_space<vmem>> -> memref<8x8x128xf32, #tpu.memory_space<vmem>>
    %dma_wait3A_134 = arith.constant 0 : i32
    %dma_wait3A_135 = arith.constant 0 : i32
    %dma_wait3A_136 = arith.constant 0 : i32
    %dma_wait3A_137 = tpu.memref_slice %arg4[%dma_wait3A_134, %mul3A_2, %dma_wait3A_135, %dma_wait3A_136] : memref<8x2560x8x128xf32, #tpu.memory_space<hbm>> -> memref<8x1x8x128xf32, #tpu.memory_space<hbm>>
    %dma_wait3A_138 = tpu.memref_squeeze %dma_wait3A_137 : memref<8x1x8x128xf32, #tpu.memory_space<hbm>> -> memref<8x8x128xf32, #tpu.memory_space<hbm>>
    %dma_wait3A_139 = arith.constant 0 : i32
    %dma_wait3A_140 = arith.constant 0 : i32
    %dma_wait3A_141 = arith.constant 0 : i32
    %dma_wait3A_142 = tpu.memref_slice %arg4[%dma_wait3A_139, %mul3A_2, %dma_wait3A_140, %dma_wait3A_141] : memref<8x2560x8x128xf32, #tpu.memory_space<hbm>> -> memref<8x1x8x128xf32, #tpu.memory_space<hbm>>
    %dma_wait3A_143 = tpu.memref_squeeze %dma_wait3A_142 : memref<8x1x8x128xf32, #tpu.memory_space<hbm>> -> memref<8x8x128xf32, #tpu.memory_space<hbm>>
    %dma_wait3A_144 = arith.constant 0 : i32
    %dma_wait3A_145 = arith.constant 0 : i32
    %dma_wait3A_146 = arith.constant 0 : i32
    %dma_wait3A_147 = tpu.memref_slice %arg7[%dma_wait3A_128, %dma_wait3A_144, %dma_wait3A_145, %dma_wait3A_146] : memref<5x8x8x128xf32, #tpu.memory_space<vmem>> -> memref<1x8x8x128xf32, #tpu.memory_space<vmem>>
    %dma_wait3A_148 = tpu.memref_squeeze %dma_wait3A_147 : memref<1x8x8x128xf32, #tpu.memory_space<vmem>> -> memref<8x8x128xf32, #tpu.memory_space<vmem>>
    tpu.wait_dma2 semaphore(%arg16 : memref<!tpu.dma_semaphore, #tpu.memory_space<semaphore_mem>>) src(%dma_wait3A_148 : memref<8x8x128xf32, #tpu.memory_space<vmem>>) dst(%dma_wait3A_143 : memref<8x8x128xf32, #tpu.memory_space<hbm>>)
    %dma_wait3A_149 = arith.constant 4 : i32
    %dma_wait3A_150 = arith.constant 0 : i32
    %dma_wait3A_151 = arith.constant 0 : i32
    %dma_wait3A_152 = arith.constant 0 : i32
    %dma_wait3A_153 = tpu.memref_slice %arg7[%dma_wait3A_149, %dma_wait3A_150, %dma_wait3A_151, %dma_wait3A_152] : memref<5x8x8x128xf32, #tpu.memory_space<vmem>> -> memref<1x8x8x128xf32, #tpu.memory_space<vmem>>
    %dma_wait3A_154 = tpu.memref_squeeze %dma_wait3A_153 : memref<1x8x8x128xf32, #tpu.memory_space<vmem>> -> memref<8x8x128xf32, #tpu.memory_space<vmem>>
    %dma_wait3A_155 = arith.constant 0 : i32
    %dma_wait3A_156 = arith.constant 0 : i32
    %dma_wait3A_157 = arith.constant 0 : i32
    %dma_wait3A_158 = tpu.memref_slice %arg4[%dma_wait3A_155, %mul3A_2, %dma_wait3A_156, %dma_wait3A_157] : memref<8x2560x8x128xf32, #tpu.memory_space<hbm>> -> memref<8x1x8x128xf32, #tpu.memory_space<hbm>>
    %dma_wait3A_159 = tpu.memref_squeeze %dma_wait3A_158 : memref<8x1x8x128xf32, #tpu.memory_space<hbm>> -> memref<8x8x128xf32, #tpu.memory_space<hbm>>
    %dma_wait3A_160 = arith.constant 0 : i32
    %dma_wait3A_161 = arith.constant 0 : i32
    %dma_wait3A_162 = arith.constant 0 : i32
    %dma_wait3A_163 = tpu.memref_slice %arg4[%dma_wait3A_160, %mul3A_2, %dma_wait3A_161, %dma_wait3A_162] : memref<8x2560x8x128xf32, #tpu.memory_space<hbm>> -> memref<8x1x8x128xf32, #tpu.memory_space<hbm>>
    %dma_wait3A_164 = tpu.memref_squeeze %dma_wait3A_163 : memref<8x1x8x128xf32, #tpu.memory_space<hbm>> -> memref<8x8x128xf32, #tpu.memory_space<hbm>>
    %dma_wait3A_165 = arith.constant 0 : i32
    %dma_wait3A_166 = arith.constant 0 : i32
    %dma_wait3A_167 = arith.constant 0 : i32
    %dma_wait3A_168 = tpu.memref_slice %arg7[%dma_wait3A_149, %dma_wait3A_165, %dma_wait3A_166, %dma_wait3A_167] : memref<5x8x8x128xf32, #tpu.memory_space<vmem>> -> memref<1x8x8x128xf32, #tpu.memory_space<vmem>>
    %dma_wait3A_169 = tpu.memref_squeeze %dma_wait3A_168 : memref<1x8x8x128xf32, #tpu.memory_space<vmem>> -> memref<8x8x128xf32, #tpu.memory_space<vmem>>
    tpu.wait_dma2 semaphore(%arg17 : memref<!tpu.dma_semaphore, #tpu.memory_space<semaphore_mem>>) src(%dma_wait3A_169 : memref<8x8x128xf32, #tpu.memory_space<vmem>>) dst(%dma_wait3A_164 : memref<8x8x128xf32, #tpu.memory_space<hbm>>)
    return
  }
}

module attributes {stable_mosaic.version = 14 : i64} {
  func.func @_pack_kernel(%arg0: i32, %arg1: memref<64x4096xf32, #tpu.memory_space<vmem>>, %arg2: memref<64x4096xf32, #tpu.memory_space<vmem>>, %arg3: memref<4096x128xf32, #tpu.memory_space<vmem>>) attributes {dimension_semantics = [#tpu.dimension_semantics<arbitrary>], iteration_bounds = array<i64: 123>, scalar_prefetch = 0 : i64, scratch_operands = 0 : i64, tpu.core_type = #tpu.core_type<tc>, window_params = [{transform_indices = @transform_0, window_bounds = array<i64: 64, 4096>}, {transform_indices = @transform_1, window_bounds = array<i64: 64, 4096>}, {transform_indices = @transform_2, window_bounds = array<i64: 4096, 128>}]} {
    %get3A = arith.constant 0 : index
    %get3A_0 = arith.constant 0 : index
    %get3A_1 = vector.load %arg1[%get3A, %get3A_0] : memref<64x4096xf32, #tpu.memory_space<vmem>>, vector<64x4096xf32>
    %transpose3A = tpu.transpose %get3A_1, [1, 0] : vector<64x4096xf32> -> vector<4096x64xf32>
    %get3A_2 = arith.constant 0 : index
    %get3A_3 = arith.constant 0 : index
    %get3A_4 = vector.load %arg2[%get3A_2, %get3A_3] : memref<64x4096xf32, #tpu.memory_space<vmem>>, vector<64x4096xf32>
    %transpose3A_5 = tpu.transpose %get3A_4, [1, 0] : vector<64x4096xf32> -> vector<4096x64xf32>
    %concatenate3A = tpu.concatenate %transpose3A, %transpose3A_5 in 1 : vector<4096x64xf32>, vector<4096x64xf32> -> vector<4096x128xf32>
    %swap3A = arith.constant 0 : index
    %swap3A_6 = arith.constant 0 : index
    %swap3A_7 = vector.load %arg3[%swap3A, %swap3A_6] : memref<4096x128xf32, #tpu.memory_space<vmem>>, vector<4096x128xf32>
    tpu.vector_store %arg3[%swap3A, %swap3A_6], %concatenate3A {strides = array<i32>} : memref<4096x128xf32, #tpu.memory_space<vmem>>, vector<4096x128xf32>,
    return
  }
  func.func @transform_0(%arg0: i32) -> (i32, i32) {
    %mul3A = arith.constant 2 : i32
    %mul3A_0 = arith.muli %mul3A, %arg0 : i32
    %min3A = arith.constant 244 : i32
    %min3A_1 = arith.minsi %mul3A_0, %min3A : i32
    %c0_i32 = arith.constant 0 : i32
    %c0_i32_2 = arith.constant 0 : i32
    return %c0_i32, %min3A_1 : i32, i32
  }
  func.func @transform_1(%arg0: i32) -> (i32, i32) {
    %mul3A = arith.constant 2 : i32
    %mul3A_0 = arith.muli %mul3A, %arg0 : i32
    %add3A = arith.constant 1 : i32
    %add3A_1 = arith.addi %mul3A_0, %add3A : i32
    %min3A = arith.constant 244 : i32
    %min3A_2 = arith.minsi %add3A_1, %min3A : i32
    %c0_i32 = arith.constant 0 : i32
    %c0_i32_3 = arith.constant 0 : i32
    return %c0_i32, %min3A_2 : i32, i32
  }
  func.func @transform_2(%arg0: i32) -> (i32, i32) {
    %c0_i32 = arith.constant 0 : i32
    %c0_i32_0 = arith.constant 0 : i32
    return %arg0, %c0_i32 : i32, i32
  }
}

</mosaic_0001>

<sc_bundles>
// kernel: kernel.4.cloned.1.call-start
scs
__scs_entry_jumppad:
0x0: {  	(pc) =	sbr.rel $0x88, $3  }
0x1: {  	(tag) =	ssettag $0x0;
	lr =	simm.s32 $0x1  }
0x2: {  	[smem:$0x3F9F] =	sst lr;
	_ =	strace $0xD0000000  }
0x3: {  	_ = 	snop  }
0x4: {  	_ = 	snop  }
0x5: {  	_ = 	snop  }
0x6: {  	_ = 	snop  }
0x7: {  	_ = 	snop  }
__scs_overlays_trampoline_lowered:
0x8: {  	[smem:$0x3FAE] =	sst s0  }
0x9: {  	[smem:$0x3FAF] =	sst s1  }
0xa: {  	[smem:$0x3FB0] =	sst s2  }
0xb: {  	[smem:$0x3FB1] =	sst s3  }
0xc: {  	[smem:$0x3FB2] =	sst s4  }
0xd: {  	[smem:$0x3FB3] =	sst s5  }
0xe: {  	[smem:$0x3FB4] =	sst s6  }
0xf: {  	[smem:$0x3FB5] =	sst s7  }
0x10: {  	[smem:$0x3FB6] =	sst s8  }
0x11: {  	[smem:$0x3FB7] =	sst s9;
	s0 =	simm.s32 @!p0 $0x0  }
0x12: {  	s1 =	sld [smem:$0x3F9D];
	s0 =	simm.s32 @p0 $0x1  }
0x13: {  	[smem:$0x3FB8] =	sst s0;
	s0 =	simm.s32 @!p1 $0x0  }
0x14: {  	s2 =	sld [smem:$0x3F9C];
	s0 =	simm.s32 @p1 $0x1  }
0x15: {  	[smem:$0x3FB9] =	sst s0;
	s0 =	simm.s32 @!p2 $0x0  }
0x16: {  	s3 =	sld [smem:$0x3FDB];
	s0 =	simm.s32 @p2 $0x1  }
0x17: {  	s4 =	simm.s32 $0x1BF5;
	[smem:$0x3FBB] =	sst s0  }
0x18: {  	s0 =	sld [smem:$0x3F9E];
	_ =	swait.ge [sflag:s4], $0x0  }
0x19: {  	s7 =	sld [smem:$0x3F9F]  }
0x1a: {  	s8 =	sadd.s32 $0xFFFFE003, lr  }
0x1b: {  	s9 =	sadd.s32 $0xFFFFFEF7, lr;
	s5 =	simm.s32 $0xFFFFFFFF;
	p2 =	slt.u32 s8, $0xFFFFF086  }
0x1c: {  	p1 =	slt.u32 s9, $0xF7A;
	s5 =	simm.s32 @!p2 $0x0  }
0x1d: {  	s5 =	simm.s32 @p1 $0x1;
	p0 =	seq.s32 s7, s2  }
0x1e: {  	s7 =	smul.u32 @!p0 $0xF7A, s2;
	p2 =	seq.s32 @!p0 s5, $0x0  }
0x1f: {  	s9 =	smul.u32 $0xF7A, s1;
	s8 =	simm.s32 @!p0 $0x1BF5;
	p2 =	por !p2, p0  }
0x20: {  	[sflag:s8] =	ssyncset.s32 @!p0 $0xFFFFF086;
	s6 =	sadd.s32 @!p0 s3, s7;
	s7 =	simm.s32 @!p0 $0x108  }
0x21: {  	s3 =	sadd.s32 s3, s9;
	s6 =	sadd.s32 @!p0 $0x88, s6;
	s7 =	simm.s32 @p2 $0x1082  }
0x22: {  	[simem:s7], [sflag:s8] =	dma.local @!p0 [hbm:s6], $0xF7A  }
0x23: {  	s9 =	sor.u32 $0xD0000000, s2;
	s6 =	simm.s32 $0x108;
	_ =	swait.ge @!p0 [sflag:s8], $0x0  }
0x24: {  	s3 =	sadd.s32 $0x88, s3;
	s6 =	simm.s32 @!p1 $0x1082;
	[sflag:s4] =	ssyncset.s32 $0xFFFFF086  }
0x25: {  	[simem:s6], [sflag:s4] =	dma.local [hbm:s3], $0xF7A  }
0x26: {  	[smem:$0x3F9F] =	sst s1;
	(tag) =	ssettag s2;
	_ =	strace s9  }
0x27: {  	s1 =	sld [smem:$0x3FAF]  }
0x28: {  	s2 =	sld [smem:$0x3FB0]  }
0x29: {  	s4 =	sld [smem:$0x3FB2]  }
0x2a: {  	p0 =	seq.s32 s5, $0x0;
	s5 =	sld [smem:$0x3FB3]  }
0x2b: {  	s6 =	sld [smem:$0x3FB4]  }
0x2c: {  	s7 =	sld [smem:$0x3FB5]  }
0x2d: {  	s3 =	simm.s32 $0x108;
	s8 =	sld [smem:$0x3FB6]  }
0x2e: {  	s3 =	simm.s32 @!p0 $0x1082;
	s9 =	sld [smem:$0x3FB7]  }
0x2f: {  	lr =	sadd.s32 s0, s3;
	s0 =	sld [smem:$0x3FAE]  }
0x30: {  	s3 =	sld [smem:$0x3FB1]  }
0x31: {  	[smem:$0x3FBA] =	sst s10  }
0x32: {  	s10 =	sld [smem:$0x3FB8];
	_ =	sdelay $0x3  }
0x33: {  	p0 =	seq.s32 s10, $0x1;
	s10 =	sld [smem:$0x3FBA];
	_ =	sdelay $0x3  }
0x34: {  	[smem:$0x3FBA] =	sst s10  }
0x35: {  	s10 =	sld [smem:$0x3FB9];
	_ =	sdelay $0x3  }
0x36: {  	p1 =	seq.s32 s10, $0x1;
	s10 =	sld [smem:$0x3FBA];
	_ =	sdelay $0x3  }
0x37: {  	[smem:$0x3FBA] =	sst s10  }
0x38: {  	s10 =	sld [smem:$0x3FBB]  }
0x39: {  	_ = 	snop;
	(pc) =	sbr.ind lr, $3  }
0x3a: {  	_ = 	snop  }
0x3b: {  	_ = 	snop  }
0x3c: {  	p2 =	seq.s32 s10, $0x1;
	s10 =	sld [smem:$0x3FBA]  }
0x3d: {  	_ =	shalt  }
0x3e: {  	_ =	shalt  }
0x3f: {  	_ =	shalt  }
0x40: {  	_ =	shalt  }
0x41: {  	_ =	shalt  }
0x42: {  	_ =	shalt  }
0x43: {  	_ =	shalt  }
0x44: {  	_ =	shalt  }
0x45: {  	_ =	shalt  }
0x46: {  	_ =	shalt  }
0x47: {  	_ =	shalt  }
0x48: {  	_ =	shalt  }
0x49: {  	_ =	shalt  }
0x4a: {  	_ =	shalt  }
0x4b: {  	_ =	shalt  }
0x4c: {  	_ =	shalt  }
0x4d: {  	_ =	shalt  }
0x4e: {  	_ =	shalt  }
0x4f: {  	_ =	shalt  }
0x50: {  	_ =	shalt  }
0x51: {  	_ =	shalt  }
0x52: {  	_ =	shalt  }
0x53: {  	_ =	shalt  }
0x54: {  	_ =	shalt  }
0x55: {  	_ =	shalt  }
0x56: {  	_ =	shalt  }
0x57: {  	_ =	shalt  }
0x58: {  	_ =	shalt  }
0x59: {  	_ =	shalt  }
0x5a: {  	_ =	shalt  }
0x5b: {  	_ =	shalt  }
0x5c: {  	_ =	shalt  }
0x5d: {  	_ =	shalt  }
0x5e: {  	_ =	shalt  }
0x5f: {  	_ =	shalt  }
0x60: {  	_ =	shalt  }
0x61: {  	_ =	shalt  }
0x62: {  	_ =	shalt  }
0x63: {  	_ =	shalt  }
0x64: {  	_ =	shalt  }
0x65: {  	_ =	shalt  }
0x66: {  	_ =	shalt  }
0x67: {  	_ =	shalt  }
0x68: {  	_ =	shalt  }
0x69: {  	_ =	shalt  }
0x6a: {  	_ =	shalt  }
0x6b: {  	_ =	shalt  }
0x6c: {  	_ =	shalt  }
0x6d: {  	_ =	shalt  }
0x6e: {  	_ =	shalt  }
0x6f: {  	_ =	shalt  }
0x70: {  	_ =	shalt  }
0x71: {  	_ =	shalt  }
0x72: {  	_ =	shalt  }
0x73: {  	_ =	shalt  }
0x74: {  	_ =	shalt  }
0x75: {  	_ =	shalt  }
0x76: {  	_ =	shalt  }
0x77: {  	_ =	shalt  }
0x78: {  	_ =	shalt  }
0x79: {  	_ =	shalt  }
0x7a: {  	_ =	shalt  }
0x7b: {  	_ =	shalt  }
0x7c: {  	_ =	shalt  }
0x7d: {  	_ =	shalt  }
0x7e: {  	_ =	shalt  }
0x7f: {  	_ =	shalt  }
0x80: {  	_ =	shalt  }
0x81: {  	_ =	shalt  }
0x82: {  	_ =	shalt  }
0x83: {  	_ =	shalt  }
0x84: {  	_ =	shalt  }
0x85: {  	_ =	shalt  }
0x86: {  	_ =	shalt  }
0x87: {  	_ =	shalt  }
.Lfunc_end0:
.L_simem_size_0:
called_computation_lowered:
.L_overlay_start_0:
0x88: {  	s2 =	sld [smem:$0x3FD9]  }
0x89: {  	s3 =	sld [smem:$0x3FFE];
	_ =	sdelay $0x1  }
0x8a: {  	s1 =	srdreg.scid  }
0x8b: {  	s0 =	sand.u32 $0x1, s1  }
0x8c: {  	s17 =	sshll.u32 s0, $0xA;
	s2 =	sadd.s32 s3, s2  }
0x8d: {  	s2 =	sadd.s32 s2, s17  }
0x8e: {  	[smem:$0x3FC6] =	sst s2  }
0x8f: {  	_ = 	snop  }
0x90: {  	s2 =	sld [smem:$0x3FD0];
	(tm) =	ssettm $0x1  }
0x91: {  	s18 =	sld [smem:$0x3FFB];
	_ =	sdelay $0x3  }
0x92: {  	_ =	strace s18  }
0x93: {  	s3 =	sld [smem:$0x3FFC];
	_ =	sdelay $0x3  }
0x94: {  	_ =	strace s3  }
0x95: {  	s3 =	sld [smem:$0x3FFD];
	_ =	sdelay $0x3  }
0x96: {  	_ =	strace s3  }
0x97: {  	_ =	strace $0x8FFFFFFF  }
0x98: {  	s19 =	sld [smem:$0x3FDB];
	_ =	sdelay $0x1  }
0x99: {  	s4 =	simm.s32 $_scs_section_size  }
0x9a: {  	s5 =	simm.s32 $_size__tile_overlayer_lowered;
	s6 =	simm.s32 $_tile_overlayer_lowered  }
0x9b: {  	s22 =	simm.s32 $0x1BFF;
	s21 =	sshll.u32 s6, $0x1;
	s3 =	sadd.s32 s4, s19  }
0x9c: {  	s7 =	simm.s32 $0x0;
	s20 =	sshll.u32 s5, $0x1;
	s5 =	sadd.s32 s21, s3  }
0x9d: {  	[timem:s7], [sflag:s22] =	dma.local [hbm:s5], s20  }
0x9e: {  	_ =	swait.ge [sflag:s22], s20  }
0x9f: {  	s4 =	ssub.s32 $0x0, s20;
	[sflag:s22] =	ssyncset.done $0x0  }
0xa0: {  	[sflag:s22] =	ssyncadd.s32 s4;
	_ =	sdelay $0x1  }
0xa1: {  	s23 =	simm.s32 $0x1B8B  }
0xa2: {  	_ =	swait.ge [sflag:s23], $0x1  }
0xa3: {  	[sflag:s23] =	ssyncset.done $0x0  }
0xa4: {  	s25 =	simm.s32 $0x1B8E;
	s24 =	sld [smem:$0x3FFE];
	[sflag:s23] =	ssyncadd.s32 $0xFFFFFFFF  }
0xa5: {  	s26 =	simm.s32 $execute0_lowered;
	[smem:$0x3FD2] =	sst s25  }
0xa6: {  	s5 =	sshll.u32 s26, $0x1;
	_ =	strace $0x80000046;
	[dreg:$0x1] =	wrdreg $0xFFFFFFFF  }
0xa7: {  	s28 =	simm.s32 $_size_execute0_lowered;
	s3 =	sadd.s32 s3, s5;
	[dreg:$0x0] =	wrdreg $0x0  }
0xa8: {  	s5 =	sshll.u32 s28, $0x1;
	[dreg:$0x2] =	wrdreg s3  }
0xa9: {  	[dreg:$0x3] =	wrdreg s5  }
0xaa: {  	[dreg:$0x4] =	wrdreg $0xC0  }
0xab: {  	_ =	task [dreg:s7], $0x5FFFF  }
0xac: {  	[dreg:$0x1] =	wrdreg $0xFFFFFFFF  }
0xad: {  	[dreg:$0x0] =	wrdreg $0x60  }
0xae: {  	[dreg:$0x2] =	wrdreg s24  }
0xaf: {  	[dreg:$0x3] =	wrdreg s2  }
0xb0: {  	[dreg:$0x4] =	wrdreg $0x9  }
0xb1: {  	_ =	task.clear_ibuf [dreg:s7], $0x5FFFF;
	_ =	strace $0x90000046  }
0xb2: {  	s29 =	simm.s32 $0x9;
	_ =	strace $0x80000048  }
0xb3: {  	_ =	swait.ge [sflag:s29], $0x1  }
0xb4: {  	[sflag:s29] =	ssyncadd.s32 $0xFFFFFFFF  }
0xb5: {  	_ =	strace $0x90000048  }
0xb6: {  	_ =	sfence  }
0xb7: {  	s30 =	sld [smem:$0x0];
	_ =	sdelay $0x2  }
0xb8: {  	s31 =	sshll.u32 s1, $0xD;
	s1 =	sshrl.u32 s1, $0x2  }
0xb9: {  	s3 =	sand.u32 $0x4000, s31;
	s1 =	sadd.s32 s1, s30  }
0xba: {  	s0 =	sor.u32 s3, s0;
	s1 =	sshll.u32 s1, $0x11  }
0xbb: {  	s0 =	sor.u32 s1, s0  }
0xbc: {  	s0 =	sadd.s32 $0x8F2B, s0  }
0xbd: {  	[sflag:s0] =	ssyncadd.remote.s32 $0x1  }
0xbe: {  	_ =	sfence.sel $0xFFFF  }
0xbf: {  	[dreg:$0x0] =	wrdreg $0xFFFFFFFF;
	(pc) =	sbr.abs _section_cstart, $3  }
0xc0: {  	[dreg:$0x1] =	wrdreg $0xFFFFFFFF  }
0xc1: {  	_ =	task.clear_ibuf [dreg:s7], $0x2FFFF;
	_ =	strace $0x9FFFFFFF  }
0xc2: {  	(tm) =	ssettm $0x7FFFFFFF  }
0xc3: {  	_ =	shalt  }
tec
execute0_lowered:
.L_overlay_start_1:
0x0: {  	(tag) =	ssettag $0x1  }
0x1: {  	s0 =	rddreg [dreg:$0x0];
	s1 =	srdreg.scid  }
0x2: {  	s3 =	stileid.u32;
	s2 =	rddreg [dreg:$0x1];
	s4 =	simm.s32 $0x0  }
0x3: {  	s13 =	simm.s32 $0x80;
	s14 =	simm.s32 $0x2800;
	s15 =	simm.s32 $0x4800  }
0x4: {  	s17 =	simm.s32 $0x6800;
	s19 =	simm.s32 $0x8800;
	s21 =	simm.s32 $0xA800  }
0x5: {  	s22 =	simm.s32 $0x1;
	s28 =	simm.s32 $0x7;
	s29 =	simm.s32 $0xE800  }
0x6: {  	s30 =	simm.s32 $0x3;
	s31 =	simm.s32 $0x8;
	s16 =	simm.s32 $0x9  }
0x7: {  	s18 =	simm.s32 $0x12800;
	s1 =	sand.u32 $0x1, s1;
	s3 =	sshll.u32 s3, $0x1  }
0x8: {  	s20 =	simm.s32 $0x5;
	s11 =	simm.s32 $0x0;
	s3 =	sor.u32 s1, s3  }
0x9: {  	[smem:$0x7FF] =	sst s4;
	s1 =	ssub.s32 $0x2, s1;
	s23 =	smul.u32 $0x500, s3  }
0xa: {  	s5 =	sadd.s32 $0xA400, s0;
	s7 =	sshrl.u32 s1, $0x1;
	s4 =	smul.u32 $0x50, s3  }
0xb: {  	_ =	strace $0x80000047;
	s3 =	simm.s32 $0xA;
	s24 =	ssub.s32 s1, s7  }
0xc: {  	v0 =	vlaneseq.u32;
	s1 =	simm.s32 $0x10800;
	s6 =	sadd.s32 s23, s0;
	s26 =	sor.u32 $0x1, s4  }
.Ltmp0:
0xd: {  	v1 =	vmul.u32 $0x40, v0;
	v3 =	vor.u32 $0x10, v0;
	v5 =	vor.u32 $0x20, v0;
	s8 =	sor.u32 $0x2, s4;
	s9 =	sor.u32 $0x3, s4;
	(pc) =	sbr.rel .LBB2_1-.Ltmp0, $4  }
0xe: {  	v7 =	vor.u32 $0x30, v0;
	v9 =	vor.u32 $0x40, v0;
	v11 =	vor.u32 $0x50, v0;
	s10 =	sor.u32 $0x4, s4;
	s0 =	smax.u32 s24, $0x1;
	s23 =	simm.s32 $0xC800  }
0xf: {  	v13 =	vor.u32 $0x60, v0;
	v15 =	vor.u32 $0x70, v0;
	v2 =	vor.u32 $0x400, v1;
	s24 =	simm.s32 $0x400;
	s25 =	sadd.s32 $0x400, s6;
	[dreg:$0x4] =	wrdreg s26  }
0x10: {  	v4 =	vor.u32 $0x800, v1;
	v6 =	vor.u32 $0xC00, v1;
	v8 =	vor.u32 $0x1000, v1;
	[dreg:$0x5] =	wrdreg s0;
	s26 =	simm.s32 $0x2;
	s0 =	simm.s32 $0x4  }
0x11: {  	v10 =	vor.u32 $0x1400, v1;
	v12 =	vor.u32 $0x1800, v1;
	v14 =	vor.u32 $0x1C00, v1;
	s6 =	simm.s32 $0x14800;
	[dreg:$0x3] =	wrdreg s25;
	s25 =	simm.s32 $0x280000  }
.LBB2_30:
0x12: {  	s7 =	simm.s32 $0x6  }
0x13: {  	_ =	swait.ge [sflag:s7], $0x2000  }
0x14: {  	[sflag:s7] =	ssyncset.done $0x0  }
0x15: {  	[sflag:s7] =	ssyncadd.s32 $0xFFFFE000  }
0x16: {  	_ =	swait.ge [sflag:s28], $0x2000  }
0x17: {  	[sflag:s28] =	ssyncset.done $0x0  }
0x18: {  	[sflag:s28] =	ssyncadd.s32 $0xFFFFE000  }
0x19: {  	_ =	swait.ge [sflag:s31], $0x2000  }
0x1a: {  	[sflag:s31] =	ssyncset.done $0x0  }
0x1b: {  	[sflag:s31] =	ssyncadd.s32 $0xFFFFE000  }
0x1c: {  	_ =	swait.ge [sflag:s16], $0x2000  }
0x1d: {  	[sflag:s16] =	ssyncset.done $0x0  }
0x1e: {  	[sflag:s16] =	ssyncadd.s32 $0xFFFFE000  }
0x1f: {  	_ =	swait.ge [sflag:s3], $0x2000  }
0x20: {  	s11 =	rddreg [dreg:$0x6]  }
0x21: {  	s12 =	rddreg [dreg:$0x5];
	s11 =	sadd.s32 $0x1, s11  }
0x22: {  	p0 =	sne.s32 s11, s12  }
.Ltmp1:
0x23: {  	_ = 	snop;
	(pc) =	sbr.rel @!p0 .LBB2_31-.Ltmp1, $3  }
0x24: {  	_ =	sdelay $0x1  }
0x25: {  	[sflag:s3] =	ssyncset.done $0x0  }
0x26: {  	[sflag:s3] =	ssyncadd.s32 $0xFFFFE000  }
.LBB2_1:
0x27: {  	s7 =	simm.s32 $0x0;
	s12 =	rddreg [dreg:$0x3]  }
0x28: {  	[tilespmem:s7], [sflag:$0xB] =	stream.linear.gather [hbm4b:s12+s7], $0x2800, $0x38;
	[tilespmem:$0x16800] =	vst v63  }
0x29: {  	[dreg:$0x6] =	wrdreg s11;
	s12 =	simm.s32 $0xB  }
0x2a: {  	_ =	swait.ge [sflag:s12], $0x2800  }
0x2b: {  	[sflag:s12] =	ssyncset.done $0x0  }
0x2c: {  	[sflag:s12] =	ssyncadd.s32 $0xFFFFD800  }
0x2d: {  	[tilespmem:s14], [sflag:$0x1] =	stream.indirect.gather [hbm4b:s5+s13], $0x40, s7, s13, $0xb8;
	[tilespmem:$0x16800] =	vst v63  }
0x2e: {  	_ = 	snop  }
0x2f: {  	[tilespmem:s15], [sflag:$0x2] =	stream.indirect.gather [hbm4b:s5+s13], $0x40, s13, s13, $0xb8;
	[tilespmem:$0x16800] =	vst v63  }
0x30: {  	s12 =	simm.s32 $0x100  }
0x31: {  	[tilespmem:s17], [sflag:$0x3] =	stream.indirect.gather [hbm4b:s5+s13], $0x40, s12, s13, $0xb8;
	[tilespmem:$0x16800] =	vst v63  }
0x32: {  	s11 =	simm.s32 $0x180  }
0x33: {  	[tilespmem:s19], [sflag:$0x4] =	stream.indirect.gather [hbm4b:s5+s13], $0x40, s11, s13, $0xb8;
	[tilespmem:$0x16800] =	vst v63  }
0x34: {  	s12 =	simm.s32 $0x200;
	s11 =	simm.s32 $0x0  }
0x35: {  	[tilespmem:s21], [sflag:$0x5] =	stream.indirect.gather [hbm4b:s5+s13], $0x40, s12, s13, $0xb8;
	[tilespmem:$0x16800] =	vst v63  }
.LBB2_2:
0x36: {  	s7 =	simm.s32 $0x0  }
0x37: {  	v16 =	vadd.s32 s7, v0  }
0x38: {  	_ =	swait.ge [sflag:s22], $0x2000;
	v17 =	vand.u32 $0x3F, v16  }
0x39: {  	p0 =	seq.s32 s11, $0x0;
	[sflag:s22] =	ssyncset.done $0x0;
	v18 =	vor.u32 v1, v17  }
0x3a: {  	s7 =	simm.s32 @!p0 $0x6;
	[sflag:s22] =	ssyncadd.s32 $0xFFFFE000  }
0x3b: {  	_ =	swait.ge @!p0 [sflag:s7], $0x2000  }
0x3c: {  	v16 =	vshll.u32 v16, $0x7;
	[sflag:s7] =	ssyncset.done @!p0 $0x0  }
0x3d: {  	v16 =	vand.u32 $0x1F80, v16;
	[sflag:s7] =	ssyncadd.s32 @!p0 $0xFFFFE000  }
0x3e: {  	v19 =	vor.u32 v0, v16;
	v18 =	vld.idx.msk [tilespmem:v18+s14+$0x0], $0xffff  }
0x3f: {  	v20 =	vor.u32 v2, v17;
	_ =	sdelay $0x3  }
0x40: {  	[tilespmem:v19+s23+$0x0] =	vst.idx.msk $0xffff, v18  }
0x41: {  	v19 =	vor.u32 v3, v16;
	v18 =	vld.idx.msk [tilespmem:v20+s14+$0x0], $0xffff  }
0x42: {  	v20 =	vor.u32 v4, v17;
	_ =	sdelay $0x3  }
0x43: {  	[tilespmem:v19+s23+$0x0] =	vst.idx.msk $0xffff, v18  }
0x44: {  	v19 =	vor.u32 v5, v16;
	v18 =	vld.idx.msk [tilespmem:v20+s14+$0x0], $0xffff  }
0x45: {  	v20 =	vor.u32 v6, v17;
	_ =	sdelay $0x3  }
0x46: {  	[tilespmem:v19+s23+$0x0] =	vst.idx.msk $0xffff, v18  }
0x47: {  	v19 =	vor.u32 v7, v16;
	v18 =	vld.idx.msk [tilespmem:v20+s14+$0x0], $0xffff  }
0x48: {  	v20 =	vor.u32 v8, v17;
	_ =	sdelay $0x3  }
0x49: {  	[tilespmem:v19+s23+$0x0] =	vst.idx.msk $0xffff, v18  }
0x4a: {  	v19 =	vor.u32 v9, v16;
	v18 =	vld.idx.msk [tilespmem:v20+s14+$0x0], $0xffff  }
0x4b: {  	v20 =	vor.u32 v10, v17;
	_ =	sdelay $0x3  }
0x4c: {  	[tilespmem:v19+s23+$0x0] =	vst.idx.msk $0xffff, v18  }
0x4d: {  	v19 =	vor.u32 v11, v16;
	v18 =	vld.idx.msk [tilespmem:v20+s14+$0x0], $0xffff  }
0x4e: {  	v20 =	vor.u32 v12, v17;
	_ =	sdelay $0x3  }
0x4f: {  	[tilespmem:v19+s23+$0x0] =	vst.idx.msk $0xffff, v18  }
0x50: {  	v19 =	vor.u32 v13, v16;
	v18 =	vld.idx.msk [tilespmem:v20+s14+$0x0], $0xffff  }
0x51: {  	v20 =	vor.u32 v14, v17;
	_ =	sdelay $0x3  }
0x52: {  	s7 =	simm.s32 $0x1;
	[tilespmem:v19+s23+$0x0] =	vst.idx.msk $0xffff, v18  }
0x53: {  	s12 =	smul.u32 $0x5, s11;
	v17 =	vadd.s32 s7, v0;
	s7 =	simm.s32 $0x2;
	v18 =	vld.idx.msk [tilespmem:v20+s14+$0x0], $0xffff  }
.LBB2_3:
0x54: {  	p1 =	sne.s32 s7, $0x3F;
	v19 =	vand.u32 $0x3F, v17;
	v16 =	vor.u32 v15, v16  }
0x55: {  	v20 =	vor.u32 v1, v19;
	_ =	sdelay $0x3  }
0x56: {  	v17 =	vshll.u32 v17, $0x7;
	[tilespmem:v16+s23+$0x0] =	vst.idx.msk $0xffff, v18  }
0x57: {  	v16 =	vand.u32 $0x1F80, v17;
	v18 =	vld.idx.msk [tilespmem:v20+s14+$0x0], $0xffff  }
0x58: {  	v17 =	vor.u32 v0, v16  }
0x59: {  	v20 =	vor.u32 v2, v19;
	_ =	sdelay $0x3  }
0x5a: {  	[tilespmem:v17+s23+$0x0] =	vst.idx.msk $0xffff, v18  }
0x5b: {  	v17 =	vld.idx.msk [tilespmem:v20+s14+$0x0], $0xffff  }
0x5c: {  	v18 =	vor.u32 v3, v16  }
0x5d: {  	v20 =	vor.u32 v4, v19;
	_ =	sdelay $0x3  }
0x5e: {  	[tilespmem:v18+s23+$0x0] =	vst.idx.msk $0xffff, v17  }
0x5f: {  	v17 =	vld.idx.msk [tilespmem:v20+s14+$0x0], $0xffff  }
0x60: {  	v18 =	vor.u32 v5, v16  }
0x61: {  	v20 =	vor.u32 v6, v19;
	_ =	sdelay $0x3  }
0x62: {  	[tilespmem:v18+s23+$0x0] =	vst.idx.msk $0xffff, v17  }
0x63: {  	v17 =	vld.idx.msk [tilespmem:v20+s14+$0x0], $0xffff  }
0x64: {  	v18 =	vor.u32 v7, v16  }
0x65: {  	v20 =	vor.u32 v8, v19;
	_ =	sdelay $0x3  }
0x66: {  	[tilespmem:v18+s23+$0x0] =	vst.idx.msk $0xffff, v17  }
0x67: {  	v17 =	vld.idx.msk [tilespmem:v20+s14+$0x0], $0xffff  }
0x68: {  	v18 =	vor.u32 v9, v16  }
0x69: {  	v20 =	vor.u32 v10, v19;
	_ =	sdelay $0x3  }
0x6a: {  	[tilespmem:v18+s23+$0x0] =	vst.idx.msk $0xffff, v17  }
0x6b: {  	v17 =	vld.idx.msk [tilespmem:v20+s14+$0x0], $0xffff  }
0x6c: {  	v18 =	vor.u32 v11, v16  }
0x6d: {  	v20 =	vor.u32 v12, v19;
	_ =	sdelay $0x3  }
0x6e: {  	[tilespmem:v18+s23+$0x0] =	vst.idx.msk $0xffff, v17  }
0x6f: {  	v17 =	vld.idx.msk [tilespmem:v20+s14+$0x0], $0xffff  }
0x70: {  	v18 =	vor.u32 v13, v16  }
0x71: {  	v19 =	vor.u32 v14, v19  }
.Ltmp2:
0x72: {  	(pc) =	sbr.rel @p1 .LBB2_3-.Ltmp2, $3  }
0x73: {  	_ =	sdelay $0x1  }
0x74: {  	[tilespmem:v18+s23+$0x0] =	vst.idx.msk $0xffff, v17  }
0x75: {  	v17 =	vadd.s32 s7, v0;
	s7 =	sadd.s32 $0x1, s7;
	v18 =	vld.idx.msk [tilespmem:v19+s14+$0x0], $0xffff  }
0x76: {  	v19 =	vand.u32 $0x3F, v17;
	v16 =	vor.u32 v15, v16  }
0x77: {  	v20 =	vor.u32 v1, v19;
	_ =	sdelay $0x2  }
0x78: {  	v17 =	vshll.u32 v17, $0x7  }
0x79: {  	[tilespmem:v16+s23+$0x0] =	vst.idx.msk $0xffff, v18;
	v16 =	vand.u32 $0x1F80, v17  }
0x7a: {  	v17 =	vld.idx.msk [tilespmem:v20+s14+$0x0], $0xffff;
	v51 =	vor.u32 v0, v16  }
0x7b: {  	v52 =	vor.u32 v2, v19;
	_ =	sdelay $0x3  }
0x7c: {  	[tilespmem:v51+s23+$0x0] =	vst.idx.msk $0xffff, v17  }
0x7d: {  	v53 =	vor.u32 v3, v16;
	v17 =	vld.idx.msk [tilespmem:v52+s14+$0x0], $0xffff  }
0x7e: {  	v54 =	vor.u32 v4, v19;
	_ =	sdelay $0x3  }
0x7f: {  	[tilespmem:v53+s23+$0x0] =	vst.idx.msk $0xffff, v17  }
0x80: {  	v55 =	vor.u32 v5, v16;
	v17 =	vld.idx.msk [tilespmem:v54+s14+$0x0], $0xffff  }
0x81: {  	v56 =	vor.u32 v6, v19;
	_ =	sdelay $0x3  }
0x82: {  	[tilespmem:v55+s23+$0x0] =	vst.idx.msk $0xffff, v17  }
0x83: {  	v57 =	vor.u32 v7, v16;
	v17 =	vld.idx.msk [tilespmem:v56+s14+$0x0], $0xffff  }
0x84: {  	v58 =	vor.u32 v8, v19;
	_ =	sdelay $0x3  }
0x85: {  	[tilespmem:v57+s23+$0x0] =	vst.idx.msk $0xffff, v17  }
0x86: {  	v59 =	vor.u32 v9, v16;
	v17 =	vld.idx.msk [tilespmem:v58+s14+$0x0], $0xffff  }
0x87: {  	v60 =	vor.u32 v10, v19;
	_ =	sdelay $0x3  }
0x88: {  	[tilespmem:v59+s23+$0x0] =	vst.idx.msk $0xffff, v17  }
0x89: {  	v61 =	vor.u32 v11, v16;
	v17 =	vld.idx.msk [tilespmem:v60+s14+$0x0], $0xffff  }
0x8a: {  	v62 =	vor.u32 v12, v19;
	_ =	sdelay $0x3  }
0x8b: {  	[tilespmem:v61+s23+$0x0] =	vst.idx.msk $0xffff, v17  }
0x8c: {  	v63 =	vor.u32 v13, v16;
	v17 =	vld.idx.msk [tilespmem:v62+s14+$0x0], $0xffff  }
0x8d: {  	v19 =	vor.u32 v14, v19;
	_ =	sdelay $0x3  }
0x8e: {  	[tilespmem:v63+s23+$0x0] =	vst.idx.msk $0xffff, v17  }
0x8f: {  	v16 =	vor.u32 v15, v16;
	v17 =	vld.idx.msk [tilespmem:v19+s14+$0x0], $0xffff  }
0x90: {  	p1 =	sne.s32 s11, $0xF  }
.Ltmp3:
0x91: {  	_ = 	snop;
	(pc) =	sbr.rel @p1 .LBB2_6-.Ltmp3, $4  }
0x92: {  	s7 =	sadd.s32 s4, s12  }
0x93: {  	s7 =	sshll.u32 s7, $0x7  }
0x94: {  	s7 =	sadd.s32 s2, s7;
	[tilespmem:v16+s23+$0x0] =	vst.idx.msk $0xffff, v17  }
0x95: {  	[hbm4b:s7+s24] =	stream.strided.scatter [tilespmem:s23], [sflag:$0x6], $0x2000, s25, s24, $0x38;
	[tilespmem:$0x16800] =	vst v63  }
.Ltmp4:
0x96: {  	(pc) =	sbr.rel .LBB2_7-.Ltmp4, $4  }
0x97: {  	_ = 	snop  }
0x98: {  	_ =	swait.ge [sflag:s26], $0x2000  }
0x99: {  	[sflag:s26] =	ssyncset.done $0x0  }
0x9a: {  	[sflag:s26] =	ssyncadd.s32 $0xFFFFE000  }
.LBB2_6:
0x9b: {  	s7 =	smul.u32 $0xA00, s11;
	_ =	sdelay $0x1  }
0x9c: {  	s7 =	sshra.s32 s7, $0x2  }
.Ltmp5:
0x9d: {  	s7 =	sadd.s32 $0x280, s7;
	(pc) =	sbr.rel @p0 .LBB2_8-.Ltmp5, $4  }
0x9e: {  	[tilespmem:s14], [sflag:$0x1] =	stream.indirect.gather [hbm4b:s5+s13], $0x40, s7, s13, $0xb8;
	[tilespmem:$0x16800] =	vst v63  }
0x9f: {  	_ =	swait.ge [sflag:s26], $0x2000  }
0xa0: {  	[sflag:s26] =	ssyncset.done $0x0  }
0xa1: {  	[sflag:s26] =	ssyncadd.s32 $0xFFFFE000  }
.LBB2_7:
0xa2: {  	_ =	swait.ge [sflag:s28], $0x2000  }
0xa3: {  	[sflag:s28] =	ssyncset.done $0x0  }
0xa4: {  	[sflag:s28] =	ssyncadd.s32 $0xFFFFE000  }
.LBB2_8:
0xa5: {  	s7 =	simm.s32 $0x0  }
0xa6: {  	v16 =	vadd.s32 s7, v0  }
0xa7: {  	v17 =	vand.u32 $0x3F, v16  }
0xa8: {  	v18 =	vor.u32 v1, v17;
	_ =	sdelay $0x2  }
0xa9: {  	v16 =	vshll.u32 v16, $0x7  }
0xaa: {  	v16 =	vand.u32 $0x1F80, v16  }
0xab: {  	v19 =	vor.u32 v0, v16;
	v18 =	vld.idx.msk [tilespmem:v18+s15+$0x0], $0xffff  }
0xac: {  	v20 =	vor.u32 v2, v17;
	_ =	sdelay $0x3  }
0xad: {  	[tilespmem:v19+s29+$0x0] =	vst.idx.msk $0xffff, v18  }
0xae: {  	v19 =	vor.u32 v3, v16;
	v18 =	vld.idx.msk [tilespmem:v20+s15+$0x0], $0xffff  }
0xaf: {  	v20 =	vor.u32 v4, v17;
	_ =	sdelay $0x3  }
0xb0: {  	[tilespmem:v19+s29+$0x0] =	vst.idx.msk $0xffff, v18  }
0xb1: {  	v19 =	vor.u32 v5, v16;
	v18 =	vld.idx.msk [tilespmem:v20+s15+$0x0], $0xffff  }
0xb2: {  	v20 =	vor.u32 v6, v17;
	_ =	sdelay $0x3  }
0xb3: {  	[tilespmem:v19+s29+$0x0] =	vst.idx.msk $0xffff, v18  }
0xb4: {  	v19 =	vor.u32 v7, v16;
	v18 =	vld.idx.msk [tilespmem:v20+s15+$0x0], $0xffff  }
0xb5: {  	v20 =	vor.u32 v8, v17;
	_ =	sdelay $0x3  }
0xb6: {  	[tilespmem:v19+s29+$0x0] =	vst.idx.msk $0xffff, v18  }
0xb7: {  	v19 =	vor.u32 v9, v16;
	v18 =	vld.idx.msk [tilespmem:v20+s15+$0x0], $0xffff  }
0xb8: {  	v20 =	vor.u32 v10, v17;
	_ =	sdelay $0x3  }
0xb9: {  	[tilespmem:v19+s29+$0x0] =	vst.idx.msk $0xffff, v18  }
0xba: {  	v19 =	vor.u32 v11, v16;
	v18 =	vld.idx.msk [tilespmem:v20+s15+$0x0], $0xffff  }
0xbb: {  	v20 =	vor.u32 v12, v17;
	_ =	sdelay $0x3  }
0xbc: {  	[tilespmem:v19+s29+$0x0] =	vst.idx.msk $0xffff, v18  }
0xbd: {  	v19 =	vor.u32 v13, v16;
	v18 =	vld.idx.msk [tilespmem:v20+s15+$0x0], $0xffff  }
0xbe: {  	v20 =	vor.u32 v14, v17;
	_ =	sdelay $0x3  }
0xbf: {  	s7 =	simm.s32 $0x1;
	[tilespmem:v19+s29+$0x0] =	vst.idx.msk $0xffff, v18  }
0xc0: {  	v17 =	vadd.s32 s7, v0;
	s7 =	simm.s32 $0x2;
	v18 =	vld.idx.msk [tilespmem:v20+s15+$0x0], $0xffff  }
.LBB2_9:
0xc1: {  	p2 =	sne.s32 s7, $0x3F;
	v19 =	vand.u32 $0x3F, v17;
	v16 =	vor.u32 v15, v16  }
0xc2: {  	v20 =	vor.u32 v1, v19;
	_ =	sdelay $0x3  }
0xc3: {  	v17 =	vshll.u32 v17, $0x7;
	[tilespmem:v16+s29+$0x0] =	vst.idx.msk $0xffff, v18  }
0xc4: {  	v16 =	vand.u32 $0x1F80, v17;
	v18 =	vld.idx.msk [tilespmem:v20+s15+$0x0], $0xffff  }
0xc5: {  	v17 =	vor.u32 v0, v16  }
0xc6: {  	v20 =	vor.u32 v2, v19;
	_ =	sdelay $0x3  }
0xc7: {  	[tilespmem:v17+s29+$0x0] =	vst.idx.msk $0xffff, v18  }
0xc8: {  	v17 =	vld.idx.msk [tilespmem:v20+s15+$0x0], $0xffff  }
0xc9: {  	v18 =	vor.u32 v3, v16  }
0xca: {  	v20 =	vor.u32 v4, v19;
	_ =	sdelay $0x3  }
0xcb: {  	[tilespmem:v18+s29+$0x0] =	vst.idx.msk $0xffff, v17  }
0xcc: {  	v17 =	vld.idx.msk [tilespmem:v20+s15+$0x0], $0xffff  }
0xcd: {  	v18 =	vor.u32 v5, v16  }
0xce: {  	v20 =	vor.u32 v6, v19;
	_ =	sdelay $0x3  }
0xcf: {  	[tilespmem:v18+s29+$0x0] =	vst.idx.msk $0xffff, v17  }
0xd0: {  	v17 =	vld.idx.msk [tilespmem:v20+s15+$0x0], $0xffff  }
0xd1: {  	v18 =	vor.u32 v7, v16  }
0xd2: {  	v20 =	vor.u32 v8, v19;
	_ =	sdelay $0x3  }
0xd3: {  	[tilespmem:v18+s29+$0x0] =	vst.idx.msk $0xffff, v17  }
0xd4: {  	v17 =	vld.idx.msk [tilespmem:v20+s15+$0x0], $0xffff  }
0xd5: {  	v18 =	vor.u32 v9, v16  }
0xd6: {  	v20 =	vor.u32 v10, v19;
	_ =	sdelay $0x3  }
0xd7: {  	[tilespmem:v18+s29+$0x0] =	vst.idx.msk $0xffff, v17  }
0xd8: {  	v17 =	vld.idx.msk [tilespmem:v20+s15+$0x0], $0xffff  }
0xd9: {  	v18 =	vor.u32 v11, v16  }
0xda: {  	v20 =	vor.u32 v12, v19;
	_ =	sdelay $0x3  }
0xdb: {  	[tilespmem:v18+s29+$0x0] =	vst.idx.msk $0xffff, v17  }
0xdc: {  	v17 =	vld.idx.msk [tilespmem:v20+s15+$0x0], $0xffff  }
0xdd: {  	v18 =	vor.u32 v13, v16  }
0xde: {  	v19 =	vor.u32 v14, v19  }
.Ltmp6:
0xdf: {  	(pc) =	sbr.rel @p2 .LBB2_9-.Ltmp6, $3  }
0xe0: {  	_ =	sdelay $0x1  }
0xe1: {  	[tilespmem:v18+s29+$0x0] =	vst.idx.msk $0xffff, v17  }
0xe2: {  	v17 =	vadd.s32 s7, v0;
	s7 =	sadd.s32 $0x1, s7;
	v18 =	vld.idx.msk [tilespmem:v19+s15+$0x0], $0xffff  }
0xe3: {  	v19 =	vand.u32 $0x3F, v17;
	v16 =	vor.u32 v15, v16  }
0xe4: {  	v20 =	vor.u32 v1, v19;
	_ =	sdelay $0x2  }
0xe5: {  	v17 =	vshll.u32 v17, $0x7  }
0xe6: {  	[tilespmem:v16+s29+$0x0] =	vst.idx.msk $0xffff, v18;
	v16 =	vand.u32 $0x1F80, v17  }
0xe7: {  	v17 =	vld.idx.msk [tilespmem:v20+s15+$0x0], $0xffff;
	v51 =	vor.u32 v0, v16  }
0xe8: {  	v52 =	vor.u32 v2, v19;
	_ =	sdelay $0x3  }
0xe9: {  	[tilespmem:v51+s29+$0x0] =	vst.idx.msk $0xffff, v17  }
0xea: {  	v53 =	vor.u32 v3, v16;
	v17 =	vld.idx.msk [tilespmem:v52+s15+$0x0], $0xffff  }
0xeb: {  	v54 =	vor.u32 v4, v19;
	_ =	sdelay $0x3  }
0xec: {  	[tilespmem:v53+s29+$0x0] =	vst.idx.msk $0xffff, v17  }
0xed: {  	v55 =	vor.u32 v5, v16;
	v17 =	vld.idx.msk [tilespmem:v54+s15+$0x0], $0xffff  }
0xee: {  	v56 =	vor.u32 v6, v19;
	_ =	sdelay $0x3  }
0xef: {  	[tilespmem:v55+s29+$0x0] =	vst.idx.msk $0xffff, v17  }
0xf0: {  	v57 =	vor.u32 v7, v16;
	v17 =	vld.idx.msk [tilespmem:v56+s15+$0x0], $0xffff  }
0xf1: {  	v58 =	vor.u32 v8, v19;
	_ =	sdelay $0x3  }
0xf2: {  	[tilespmem:v57+s29+$0x0] =	vst.idx.msk $0xffff, v17  }
0xf3: {  	v59 =	vor.u32 v9, v16;
	v17 =	vld.idx.msk [tilespmem:v58+s15+$0x0], $0xffff  }
0xf4: {  	v60 =	vor.u32 v10, v19;
	_ =	sdelay $0x3  }
0xf5: {  	[tilespmem:v59+s29+$0x0] =	vst.idx.msk $0xffff, v17  }
0xf6: {  	v61 =	vor.u32 v11, v16;
	v17 =	vld.idx.msk [tilespmem:v60+s15+$0x0], $0xffff  }
0xf7: {  	v62 =	vor.u32 v12, v19;
	_ =	sdelay $0x3  }
0xf8: {  	[tilespmem:v61+s29+$0x0] =	vst.idx.msk $0xffff, v17  }
0xf9: {  	v63 =	vor.u32 v13, v16;
	v17 =	vld.idx.msk [tilespmem:v62+s15+$0x0], $0xffff  }
0xfa: {  	v19 =	vor.u32 v14, v19;
	_ =	sdelay $0x3  }
0xfb: {  	[tilespmem:v63+s29+$0x0] =	vst.idx.msk $0xffff, v17  }
0xfc: {  	v16 =	vor.u32 v15, v16;
	v17 =	vld.idx.msk [tilespmem:v19+s15+$0x0], $0xffff  }
0xfd: {  	s7 =	rddreg [dreg:$0x4]  }
.Ltmp7:
0xfe: {  	s7 =	sadd.s32 s12, s7;
	(pc) =	sbr.rel @p1 .LBB2_12-.Ltmp7, $4  }
0xff: {  	s7 =	sshll.u32 s7, $0x7  }
0x100: {  	s7 =	sand.u32 $0x1FFFFF80, s7  }
0x101: {  	s7 =	sadd.s32 s2, s7;
	[tilespmem:v16+s29+$0x0] =	vst.idx.msk $0xffff, v17  }
0x102: {  	[hbm4b:s7+s24] =	stream.strided.scatter [tilespmem:s29], [sflag:$0x7], $0x2000, s25, s24, $0x38;
	[tilespmem:$0x16800] =	vst v63  }
.Ltmp8:
0x103: {  	(pc) =	sbr.rel .LBB2_13-.Ltmp8, $4  }
0x104: {  	_ = 	snop  }
0x105: {  	_ =	swait.ge [sflag:s30], $0x2000  }
0x106: {  	[sflag:s30] =	ssyncset.done $0x0  }
0x107: {  	[sflag:s30] =	ssyncadd.s32 $0xFFFFE000  }
.LBB2_12:
0x108: {  	s7 =	smul.u32 $0xA00, s11;
	_ =	sdelay $0x1  }
0x109: {  	s7 =	sshra.s32 s7, $0x2  }
.Ltmp9:
0x10a: {  	s7 =	sadd.s32 $0x300, s7;
	(pc) =	sbr.rel @p0 .LBB2_14-.Ltmp9, $4  }
0x10b: {  	[tilespmem:s15], [sflag:$0x2] =	stream.indirect.gather [hbm4b:s5+s13], $0x40, s7, s13, $0xb8;
	[tilespmem:$0x16800] =	vst v63  }
0x10c: {  	_ =	swait.ge [sflag:s30], $0x2000  }
0x10d: {  	[sflag:s30] =	ssyncset.done $0x0  }
0x10e: {  	[sflag:s30] =	ssyncadd.s32 $0xFFFFE000  }
.LBB2_13:
0x10f: {  	_ =	swait.ge [sflag:s31], $0x2000  }
0x110: {  	[sflag:s31] =	ssyncset.done $0x0  }
0x111: {  	[sflag:s31] =	ssyncadd.s32 $0xFFFFE000  }
.LBB2_14:
0x112: {  	s7 =	simm.s32 $0x0  }
0x113: {  	v16 =	vadd.s32 s7, v0  }
0x114: {  	v17 =	vand.u32 $0x3F, v16  }
0x115: {  	v18 =	vor.u32 v1, v17;
	_ =	sdelay $0x2  }
0x116: {  	v16 =	vshll.u32 v16, $0x7  }
0x117: {  	v16 =	vand.u32 $0x1F80, v16  }
0x118: {  	v19 =	vor.u32 v0, v16;
	v18 =	vld.idx.msk [tilespmem:v18+s17+$0x0], $0xffff  }
0x119: {  	v20 =	vor.u32 v2, v17;
	_ =	sdelay $0x3  }
0x11a: {  	[tilespmem:v19+s1+$0x0] =	vst.idx.msk $0xffff, v18  }
0x11b: {  	v19 =	vor.u32 v3, v16;
	v18 =	vld.idx.msk [tilespmem:v20+s17+$0x0], $0xffff  }
0x11c: {  	v20 =	vor.u32 v4, v17;
	_ =	sdelay $0x3  }
0x11d: {  	[tilespmem:v19+s1+$0x0] =	vst.idx.msk $0xffff, v18  }
0x11e: {  	v19 =	vor.u32 v5, v16;
	v18 =	vld.idx.msk [tilespmem:v20+s17+$0x0], $0xffff  }
0x11f: {  	v20 =	vor.u32 v6, v17;
	_ =	sdelay $0x3  }
0x120: {  	[tilespmem:v19+s1+$0x0] =	vst.idx.msk $0xffff, v18  }
0x121: {  	v19 =	vor.u32 v7, v16;
	v18 =	vld.idx.msk [tilespmem:v20+s17+$0x0], $0xffff  }
0x122: {  	v20 =	vor.u32 v8, v17;
	_ =	sdelay $0x3  }
0x123: {  	[tilespmem:v19+s1+$0x0] =	vst.idx.msk $0xffff, v18  }
0x124: {  	v19 =	vor.u32 v9, v16;
	v18 =	vld.idx.msk [tilespmem:v20+s17+$0x0], $0xffff  }
0x125: {  	v20 =	vor.u32 v10, v17;
	_ =	sdelay $0x3  }
0x126: {  	[tilespmem:v19+s1+$0x0] =	vst.idx.msk $0xffff, v18  }
0x127: {  	v19 =	vor.u32 v11, v16;
	v18 =	vld.idx.msk [tilespmem:v20+s17+$0x0], $0xffff  }
0x128: {  	v20 =	vor.u32 v12, v17;
	_ =	sdelay $0x3  }
0x129: {  	[tilespmem:v19+s1+$0x0] =	vst.idx.msk $0xffff, v18  }
0x12a: {  	v19 =	vor.u32 v13, v16;
	v18 =	vld.idx.msk [tilespmem:v20+s17+$0x0], $0xffff  }
0x12b: {  	v20 =	vor.u32 v14, v17;
	_ =	sdelay $0x3  }
0x12c: {  	s7 =	simm.s32 $0x1;
	[tilespmem:v19+s1+$0x0] =	vst.idx.msk $0xffff, v18  }
0x12d: {  	v17 =	vadd.s32 s7, v0;
	s7 =	simm.s32 $0x2;
	v18 =	vld.idx.msk [tilespmem:v20+s17+$0x0], $0xffff  }
.LBB2_15:
0x12e: {  	p2 =	sne.s32 s7, $0x3F;
	v19 =	vand.u32 $0x3F, v17;
	v16 =	vor.u32 v15, v16  }
0x12f: {  	v20 =	vor.u32 v1, v19;
	_ =	sdelay $0x3  }
0x130: {  	v17 =	vshll.u32 v17, $0x7;
	[tilespmem:v16+s1+$0x0] =	vst.idx.msk $0xffff, v18  }
0x131: {  	v16 =	vand.u32 $0x1F80, v17;
	v18 =	vld.idx.msk [tilespmem:v20+s17+$0x0], $0xffff  }
0x132: {  	v17 =	vor.u32 v0, v16  }
0x133: {  	v20 =	vor.u32 v2, v19;
	_ =	sdelay $0x3  }
0x134: {  	[tilespmem:v17+s1+$0x0] =	vst.idx.msk $0xffff, v18  }
0x135: {  	v17 =	vld.idx.msk [tilespmem:v20+s17+$0x0], $0xffff  }
0x136: {  	v18 =	vor.u32 v3, v16  }
0x137: {  	v20 =	vor.u32 v4, v19;
	_ =	sdelay $0x3  }
0x138: {  	[tilespmem:v18+s1+$0x0] =	vst.idx.msk $0xffff, v17  }
0x139: {  	v17 =	vld.idx.msk [tilespmem:v20+s17+$0x0], $0xffff  }
0x13a: {  	v18 =	vor.u32 v5, v16  }
0x13b: {  	v20 =	vor.u32 v6, v19;
	_ =	sdelay $0x3  }
0x13c: {  	[tilespmem:v18+s1+$0x0] =	vst.idx.msk $0xffff, v17  }
0x13d: {  	v17 =	vld.idx.msk [tilespmem:v20+s17+$0x0], $0xffff  }
0x13e: {  	v18 =	vor.u32 v7, v16  }
0x13f: {  	v20 =	vor.u32 v8, v19;
	_ =	sdelay $0x3  }
0x140: {  	[tilespmem:v18+s1+$0x0] =	vst.idx.msk $0xffff, v17  }
0x141: {  	v17 =	vld.idx.msk [tilespmem:v20+s17+$0x0], $0xffff  }
0x142: {  	v18 =	vor.u32 v9, v16  }
0x143: {  	v20 =	vor.u32 v10, v19;
	_ =	sdelay $0x3  }
0x144: {  	[tilespmem:v18+s1+$0x0] =	vst.idx.msk $0xffff, v17  }
0x145: {  	v17 =	vld.idx.msk [tilespmem:v20+s17+$0x0], $0xffff  }
0x146: {  	v18 =	vor.u32 v11, v16  }
0x147: {  	v20 =	vor.u32 v12, v19;
	_ =	sdelay $0x3  }
0x148: {  	[tilespmem:v18+s1+$0x0] =	vst.idx.msk $0xffff, v17  }
0x149: {  	v17 =	vld.idx.msk [tilespmem:v20+s17+$0x0], $0xffff  }
0x14a: {  	v18 =	vor.u32 v13, v16  }
0x14b: {  	v19 =	vor.u32 v14, v19  }
.Ltmp10:
0x14c: {  	(pc) =	sbr.rel @p2 .LBB2_15-.Ltmp10, $3  }
0x14d: {  	_ =	sdelay $0x1  }
0x14e: {  	[tilespmem:v18+s1+$0x0] =	vst.idx.msk $0xffff, v17  }
0x14f: {  	v17 =	vadd.s32 s7, v0;
	s7 =	sadd.s32 $0x1, s7;
	v18 =	vld.idx.msk [tilespmem:v19+s17+$0x0], $0xffff  }
0x150: {  	v19 =	vand.u32 $0x3F, v17;
	v16 =	vor.u32 v15, v16  }
0x151: {  	v20 =	vor.u32 v1, v19;
	_ =	sdelay $0x2  }
0x152: {  	v17 =	vshll.u32 v17, $0x7  }
0x153: {  	[tilespmem:v16+s1+$0x0] =	vst.idx.msk $0xffff, v18;
	v16 =	vand.u32 $0x1F80, v17  }
0x154: {  	v17 =	vld.idx.msk [tilespmem:v20+s17+$0x0], $0xffff;
	v51 =	vor.u32 v0, v16  }
0x155: {  	v52 =	vor.u32 v2, v19;
	_ =	sdelay $0x3  }
0x156: {  	[tilespmem:v51+s1+$0x0] =	vst.idx.msk $0xffff, v17  }
0x157: {  	v53 =	vor.u32 v3, v16;
	v17 =	vld.idx.msk [tilespmem:v52+s17+$0x0], $0xffff  }
0x158: {  	v54 =	vor.u32 v4, v19;
	_ =	sdelay $0x3  }
0x159: {  	[tilespmem:v53+s1+$0x0] =	vst.idx.msk $0xffff, v17  }
0x15a: {  	v55 =	vor.u32 v5, v16;
	v17 =	vld.idx.msk [tilespmem:v54+s17+$0x0], $0xffff  }
0x15b: {  	v56 =	vor.u32 v6, v19;
	_ =	sdelay $0x3  }
0x15c: {  	[tilespmem:v55+s1+$0x0] =	vst.idx.msk $0xffff, v17  }
0x15d: {  	v57 =	vor.u32 v7, v16;
	v17 =	vld.idx.msk [tilespmem:v56+s17+$0x0], $0xffff  }
0x15e: {  	v58 =	vor.u32 v8, v19;
	_ =	sdelay $0x3  }
0x15f: {  	[tilespmem:v57+s1+$0x0] =	vst.idx.msk $0xffff, v17  }
0x160: {  	v59 =	vor.u32 v9, v16;
	v17 =	vld.idx.msk [tilespmem:v58+s17+$0x0], $0xffff  }
0x161: {  	v60 =	vor.u32 v10, v19;
	_ =	sdelay $0x3  }
0x162: {  	[tilespmem:v59+s1+$0x0] =	vst.idx.msk $0xffff, v17  }
0x163: {  	v61 =	vor.u32 v11, v16;
	v17 =	vld.idx.msk [tilespmem:v60+s17+$0x0], $0xffff  }
0x164: {  	v62 =	vor.u32 v12, v19;
	_ =	sdelay $0x3  }
0x165: {  	[tilespmem:v61+s1+$0x0] =	vst.idx.msk $0xffff, v17  }
0x166: {  	v63 =	vor.u32 v13, v16;
	v17 =	vld.idx.msk [tilespmem:v62+s17+$0x0], $0xffff  }
0x167: {  	v19 =	vor.u32 v14, v19;
	_ =	sdelay $0x3  }
0x168: {  	[tilespmem:v63+s1+$0x0] =	vst.idx.msk $0xffff, v17  }
0x169: {  	v16 =	vor.u32 v15, v16;
	v17 =	vld.idx.msk [tilespmem:v19+s17+$0x0], $0xffff;
	_ =	sdelay $0x1  }
.Ltmp11:
0x16a: {  	s7 =	sadd.s32 s12, s8;
	(pc) =	sbr.rel @p1 .LBB2_18-.Ltmp11, $4  }
0x16b: {  	s7 =	sshll.u32 s7, $0x7  }
0x16c: {  	s7 =	sand.u32 $0x1FFFFF80, s7  }
0x16d: {  	s7 =	sadd.s32 s2, s7;
	[tilespmem:v16+s1+$0x0] =	vst.idx.msk $0xffff, v17  }
0x16e: {  	[hbm4b:s7+s24] =	stream.strided.scatter [tilespmem:s1], [sflag:$0x8], $0x2000, s25, s24, $0x38;
	[tilespmem:$0x16800] =	vst v63  }
.Ltmp12:
0x16f: {  	(pc) =	sbr.rel .LBB2_19-.Ltmp12, $4  }
0x170: {  	_ = 	snop  }
0x171: {  	_ =	swait.ge [sflag:s0], $0x2000  }
0x172: {  	[sflag:s0] =	ssyncset.done $0x0  }
0x173: {  	[sflag:s0] =	ssyncadd.s32 $0xFFFFE000  }
.LBB2_18:
0x174: {  	s7 =	smul.u32 $0xA00, s11;
	_ =	sdelay $0x1  }
0x175: {  	s7 =	sshra.s32 s7, $0x2  }
.Ltmp13:
0x176: {  	s7 =	sadd.s32 $0x380, s7;
	(pc) =	sbr.rel @p0 .LBB2_20-.Ltmp13, $4  }
0x177: {  	[tilespmem:s17], [sflag:$0x3] =	stream.indirect.gather [hbm4b:s5+s13], $0x40, s7, s13, $0xb8;
	[tilespmem:$0x16800] =	vst v63  }
0x178: {  	_ =	swait.ge [sflag:s0], $0x2000  }
0x179: {  	[sflag:s0] =	ssyncset.done $0x0  }
0x17a: {  	[sflag:s0] =	ssyncadd.s32 $0xFFFFE000  }
.LBB2_19:
0x17b: {  	_ =	swait.ge [sflag:s16], $0x2000  }
0x17c: {  	[sflag:s16] =	ssyncset.done $0x0  }
0x17d: {  	[sflag:s16] =	ssyncadd.s32 $0xFFFFE000  }
.LBB2_20:
0x17e: {  	s7 =	simm.s32 $0x0  }
0x17f: {  	v16 =	vadd.s32 s7, v0  }
0x180: {  	v17 =	vand.u32 $0x3F, v16  }
0x181: {  	v18 =	vor.u32 v1, v17;
	_ =	sdelay $0x2  }
0x182: {  	v16 =	vshll.u32 v16, $0x7  }
0x183: {  	v16 =	vand.u32 $0x1F80, v16  }
0x184: {  	v19 =	vor.u32 v0, v16;
	v18 =	vld.idx.msk [tilespmem:v18+s19+$0x0], $0xffff  }
0x185: {  	v20 =	vor.u32 v2, v17;
	_ =	sdelay $0x3  }
0x186: {  	[tilespmem:v19+s18+$0x0] =	vst.idx.msk $0xffff, v18  }
0x187: {  	v19 =	vor.u32 v3, v16;
	v18 =	vld.idx.msk [tilespmem:v20+s19+$0x0], $0xffff  }
0x188: {  	v20 =	vor.u32 v4, v17;
	_ =	sdelay $0x3  }
0x189: {  	[tilespmem:v19+s18+$0x0] =	vst.idx.msk $0xffff, v18  }
0x18a: {  	v19 =	vor.u32 v5, v16;
	v18 =	vld.idx.msk [tilespmem:v20+s19+$0x0], $0xffff  }
0x18b: {  	v20 =	vor.u32 v6, v17;
	_ =	sdelay $0x3  }
0x18c: {  	[tilespmem:v19+s18+$0x0] =	vst.idx.msk $0xffff, v18  }
0x18d: {  	v19 =	vor.u32 v7, v16;
	v18 =	vld.idx.msk [tilespmem:v20+s19+$0x0], $0xffff  }
0x18e: {  	v20 =	vor.u32 v8, v17;
	_ =	sdelay $0x3  }
0x18f: {  	[tilespmem:v19+s18+$0x0] =	vst.idx.msk $0xffff, v18  }
0x190: {  	v19 =	vor.u32 v9, v16;
	v18 =	vld.idx.msk [tilespmem:v20+s19+$0x0], $0xffff  }
0x191: {  	v20 =	vor.u32 v10, v17;
	_ =	sdelay $0x3  }
0x192: {  	[tilespmem:v19+s18+$0x0] =	vst.idx.msk $0xffff, v18  }
0x193: {  	v19 =	vor.u32 v11, v16;
	v18 =	vld.idx.msk [tilespmem:v20+s19+$0x0], $0xffff  }
0x194: {  	v20 =	vor.u32 v12, v17;
	_ =	sdelay $0x3  }
0x195: {  	[tilespmem:v19+s18+$0x0] =	vst.idx.msk $0xffff, v18  }
0x196: {  	v19 =	vor.u32 v13, v16;
	v18 =	vld.idx.msk [tilespmem:v20+s19+$0x0], $0xffff  }
0x197: {  	v20 =	vor.u32 v14, v17;
	_ =	sdelay $0x3  }
0x198: {  	s7 =	simm.s32 $0x1;
	[tilespmem:v19+s18+$0x0] =	vst.idx.msk $0xffff, v18  }
0x199: {  	v17 =	vadd.s32 s7, v0;
	s7 =	simm.s32 $0x2;
	v18 =	vld.idx.msk [tilespmem:v20+s19+$0x0], $0xffff  }
.LBB2_21:
0x19a: {  	p2 =	sne.s32 s7, $0x3F;
	v19 =	vand.u32 $0x3F, v17;
	v16 =	vor.u32 v15, v16  }
0x19b: {  	v20 =	vor.u32 v1, v19;
	_ =	sdelay $0x3  }
0x19c: {  	v17 =	vshll.u32 v17, $0x7;
	[tilespmem:v16+s18+$0x0] =	vst.idx.msk $0xffff, v18  }
0x19d: {  	v16 =	vand.u32 $0x1F80, v17;
	v18 =	vld.idx.msk [tilespmem:v20+s19+$0x0], $0xffff  }
0x19e: {  	v17 =	vor.u32 v0, v16  }
0x19f: {  	v20 =	vor.u32 v2, v19;
	_ =	sdelay $0x3  }
0x1a0: {  	[tilespmem:v17+s18+$0x0] =	vst.idx.msk $0xffff, v18  }
0x1a1: {  	v17 =	vld.idx.msk [tilespmem:v20+s19+$0x0], $0xffff  }
0x1a2: {  	v18 =	vor.u32 v3, v16  }
0x1a3: {  	v20 =	vor.u32 v4, v19;
	_ =	sdelay $0x3  }
0x1a4: {  	[tilespmem:v18+s18+$0x0] =	vst.idx.msk $0xffff, v17  }
0x1a5: {  	v17 =	vld.idx.msk [tilespmem:v20+s19+$0x0], $0xffff  }
0x1a6: {  	v18 =	vor.u32 v5, v16  }
0x1a7: {  	v20 =	vor.u32 v6, v19;
	_ =	sdelay $0x3  }
0x1a8: {  	[tilespmem:v18+s18+$0x0] =	vst.idx.msk $0xffff, v17  }
0x1a9: {  	v17 =	vld.idx.msk [tilespmem:v20+s19+$0x0], $0xffff  }
0x1aa: {  	v18 =	vor.u32 v7, v16  }
0x1ab: {  	v20 =	vor.u32 v8, v19;
	_ =	sdelay $0x3  }
0x1ac: {  	[tilespmem:v18+s18+$0x0] =	vst.idx.msk $0xffff, v17  }
0x1ad: {  	v17 =	vld.idx.msk [tilespmem:v20+s19+$0x0], $0xffff  }
0x1ae: {  	v18 =	vor.u32 v9, v16  }
0x1af: {  	v20 =	vor.u32 v10, v19;
	_ =	sdelay $0x3  }
0x1b0: {  	[tilespmem:v18+s18+$0x0] =	vst.idx.msk $0xffff, v17  }
0x1b1: {  	v17 =	vld.idx.msk [tilespmem:v20+s19+$0x0], $0xffff  }
0x1b2: {  	v18 =	vor.u32 v11, v16  }
0x1b3: {  	v20 =	vor.u32 v12, v19;
	_ =	sdelay $0x3  }
0x1b4: {  	[tilespmem:v18+s18+$0x0] =	vst.idx.msk $0xffff, v17  }
0x1b5: {  	v17 =	vld.idx.msk [tilespmem:v20+s19+$0x0], $0xffff  }
0x1b6: {  	v18 =	vor.u32 v13, v16  }
0x1b7: {  	v19 =	vor.u32 v14, v19  }
.Ltmp14:
0x1b8: {  	(pc) =	sbr.rel @p2 .LBB2_21-.Ltmp14, $3  }
0x1b9: {  	_ =	sdelay $0x1  }
0x1ba: {  	[tilespmem:v18+s18+$0x0] =	vst.idx.msk $0xffff, v17  }
0x1bb: {  	v17 =	vadd.s32 s7, v0;
	s7 =	sadd.s32 $0x1, s7;
	v18 =	vld.idx.msk [tilespmem:v19+s19+$0x0], $0xffff  }
0x1bc: {  	v19 =	vand.u32 $0x3F, v17;
	v16 =	vor.u32 v15, v16  }
0x1bd: {  	v20 =	vor.u32 v1, v19;
	_ =	sdelay $0x2  }
0x1be: {  	v17 =	vshll.u32 v17, $0x7  }
0x1bf: {  	[tilespmem:v16+s18+$0x0] =	vst.idx.msk $0xffff, v18;
	v16 =	vand.u32 $0x1F80, v17  }
0x1c0: {  	v17 =	vld.idx.msk [tilespmem:v20+s19+$0x0], $0xffff;
	v51 =	vor.u32 v0, v16  }
0x1c1: {  	v52 =	vor.u32 v2, v19;
	_ =	sdelay $0x3  }
0x1c2: {  	[tilespmem:v51+s18+$0x0] =	vst.idx.msk $0xffff, v17  }
0x1c3: {  	v53 =	vor.u32 v3, v16;
	v17 =	vld.idx.msk [tilespmem:v52+s19+$0x0], $0xffff  }
0x1c4: {  	v54 =	vor.u32 v4, v19;
	_ =	sdelay $0x3  }
0x1c5: {  	[tilespmem:v53+s18+$0x0] =	vst.idx.msk $0xffff, v17  }
0x1c6: {  	v55 =	vor.u32 v5, v16;
	v17 =	vld.idx.msk [tilespmem:v54+s19+$0x0], $0xffff  }
0x1c7: {  	v56 =	vor.u32 v6, v19;
	_ =	sdelay $0x3  }
0x1c8: {  	[tilespmem:v55+s18+$0x0] =	vst.idx.msk $0xffff, v17  }
0x1c9: {  	v57 =	vor.u32 v7, v16;
	v17 =	vld.idx.msk [tilespmem:v56+s19+$0x0], $0xffff  }
0x1ca: {  	v58 =	vor.u32 v8, v19;
	_ =	sdelay $0x3  }
0x1cb: {  	[tilespmem:v57+s18+$0x0] =	vst.idx.msk $0xffff, v17  }
0x1cc: {  	v59 =	vor.u32 v9, v16;
	v17 =	vld.idx.msk [tilespmem:v58+s19+$0x0], $0xffff  }
0x1cd: {  	v60 =	vor.u32 v10, v19;
	_ =	sdelay $0x3  }
0x1ce: {  	[tilespmem:v59+s18+$0x0] =	vst.idx.msk $0xffff, v17  }
0x1cf: {  	v61 =	vor.u32 v11, v16;
	v17 =	vld.idx.msk [tilespmem:v60+s19+$0x0], $0xffff  }
0x1d0: {  	v62 =	vor.u32 v12, v19;
	_ =	sdelay $0x3  }
0x1d1: {  	[tilespmem:v61+s18+$0x0] =	vst.idx.msk $0xffff, v17  }
0x1d2: {  	v63 =	vor.u32 v13, v16;
	v17 =	vld.idx.msk [tilespmem:v62+s19+$0x0], $0xffff  }
0x1d3: {  	v19 =	vor.u32 v14, v19;
	_ =	sdelay $0x3  }
0x1d4: {  	[tilespmem:v63+s18+$0x0] =	vst.idx.msk $0xffff, v17  }
0x1d5: {  	v16 =	vor.u32 v15, v16;
	v17 =	vld.idx.msk [tilespmem:v19+s19+$0x0], $0xffff;
	_ =	sdelay $0x1  }
.Ltmp15:
0x1d6: {  	s7 =	sadd.s32 s12, s9;
	(pc) =	sbr.rel @p1 .LBB2_24-.Ltmp15, $4  }
0x1d7: {  	s7 =	sshll.u32 s7, $0x7  }
0x1d8: {  	s7 =	sand.u32 $0x1FFFFF80, s7  }
0x1d9: {  	s7 =	sadd.s32 s2, s7;
	[tilespmem:v16+s18+$0x0] =	vst.idx.msk $0xffff, v17  }
0x1da: {  	[hbm4b:s7+s24] =	stream.strided.scatter [tilespmem:s18], [sflag:$0x9], $0x2000, s25, s24, $0x38;
	[tilespmem:$0x16800] =	vst v63  }
.Ltmp16:
0x1db: {  	(pc) =	sbr.rel .LBB2_25-.Ltmp16, $4  }
0x1dc: {  	_ = 	snop  }
0x1dd: {  	_ =	swait.ge [sflag:s20], $0x2000  }
0x1de: {  	[sflag:s20] =	ssyncset.done $0x0  }
0x1df: {  	[sflag:s20] =	ssyncadd.s32 $0xFFFFE000  }
.LBB2_24:
0x1e0: {  	s7 =	smul.u32 $0xA00, s11;
	_ =	sdelay $0x1  }
0x1e1: {  	s7 =	sshra.s32 s7, $0x2  }
.Ltmp17:
0x1e2: {  	s7 =	sadd.s32 $0x400, s7;
	(pc) =	sbr.rel @p0 .LBB2_26-.Ltmp17, $4  }
0x1e3: {  	[tilespmem:s19], [sflag:$0x4] =	stream.indirect.gather [hbm4b:s5+s13], $0x40, s7, s13, $0xb8;
	[tilespmem:$0x16800] =	vst v63  }
0x1e4: {  	_ =	swait.ge [sflag:s20], $0x2000  }
0x1e5: {  	[sflag:s20] =	ssyncset.done $0x0  }
0x1e6: {  	[sflag:s20] =	ssyncadd.s32 $0xFFFFE000  }
.LBB2_25:
0x1e7: {  	_ =	swait.ge [sflag:s3], $0x2000  }
0x1e8: {  	[sflag:s3] =	ssyncset.done $0x0  }
0x1e9: {  	[sflag:s3] =	ssyncadd.s32 $0xFFFFE000  }
.LBB2_26:
0x1ea: {  	s7 =	simm.s32 $0x0  }
0x1eb: {  	v16 =	vadd.s32 s7, v0  }
0x1ec: {  	v17 =	vand.u32 $0x3F, v16  }
0x1ed: {  	v18 =	vor.u32 v1, v17;
	_ =	sdelay $0x2  }
0x1ee: {  	v16 =	vshll.u32 v16, $0x7  }
0x1ef: {  	v16 =	vand.u32 $0x1F80, v16  }
0x1f0: {  	v19 =	vor.u32 v0, v16;
	v18 =	vld.idx.msk [tilespmem:v18+s21+$0x0], $0xffff  }
0x1f1: {  	v20 =	vor.u32 v2, v17;
	_ =	sdelay $0x3  }
0x1f2: {  	[tilespmem:v19+s6+$0x0] =	vst.idx.msk $0xffff, v18  }
0x1f3: {  	v19 =	vor.u32 v3, v16;
	v18 =	vld.idx.msk [tilespmem:v20+s21+$0x0], $0xffff  }
0x1f4: {  	v20 =	vor.u32 v4, v17;
	_ =	sdelay $0x3  }
0x1f5: {  	[tilespmem:v19+s6+$0x0] =	vst.idx.msk $0xffff, v18  }
0x1f6: {  	v19 =	vor.u32 v5, v16;
	v18 =	vld.idx.msk [tilespmem:v20+s21+$0x0], $0xffff  }
0x1f7: {  	v20 =	vor.u32 v6, v17;
	_ =	sdelay $0x3  }
0x1f8: {  	[tilespmem:v19+s6+$0x0] =	vst.idx.msk $0xffff, v18  }
0x1f9: {  	v19 =	vor.u32 v7, v16;
	v18 =	vld.idx.msk [tilespmem:v20+s21+$0x0], $0xffff  }
0x1fa: {  	v20 =	vor.u32 v8, v17;
	_ =	sdelay $0x3  }
0x1fb: {  	[tilespmem:v19+s6+$0x0] =	vst.idx.msk $0xffff, v18  }
0x1fc: {  	v19 =	vor.u32 v9, v16;
	v18 =	vld.idx.msk [tilespmem:v20+s21+$0x0], $0xffff  }
0x1fd: {  	v20 =	vor.u32 v10, v17;
	_ =	sdelay $0x3  }
0x1fe: {  	[tilespmem:v19+s6+$0x0] =	vst.idx.msk $0xffff, v18  }
0x1ff: {  	v19 =	vor.u32 v11, v16;
	v18 =	vld.idx.msk [tilespmem:v20+s21+$0x0], $0xffff  }
0x200: {  	v20 =	vor.u32 v12, v17;
	_ =	sdelay $0x3  }
0x201: {  	[tilespmem:v19+s6+$0x0] =	vst.idx.msk $0xffff, v18  }
0x202: {  	v19 =	vor.u32 v13, v16;
	v18 =	vld.idx.msk [tilespmem:v20+s21+$0x0], $0xffff  }
0x203: {  	v20 =	vor.u32 v14, v17;
	_ =	sdelay $0x3  }
0x204: {  	s7 =	simm.s32 $0x1;
	[tilespmem:v19+s6+$0x0] =	vst.idx.msk $0xffff, v18  }
0x205: {  	v17 =	vadd.s32 s7, v0;
	s7 =	simm.s32 $0x2;
	v18 =	vld.idx.msk [tilespmem:v20+s21+$0x0], $0xffff  }
.LBB2_27:
0x206: {  	p0 =	sne.s32 s7, $0x3F;
	v19 =	vand.u32 $0x3F, v17;
	v16 =	vor.u32 v15, v16  }
0x207: {  	v20 =	vor.u32 v1, v19;
	_ =	sdelay $0x3  }
0x208: {  	v17 =	vshll.u32 v17, $0x7;
	[tilespmem:v16+s6+$0x0] =	vst.idx.msk $0xffff, v18  }
0x209: {  	v16 =	vand.u32 $0x1F80, v17;
	v18 =	vld.idx.msk [tilespmem:v20+s21+$0x0], $0xffff  }
0x20a: {  	v17 =	vor.u32 v0, v16  }
0x20b: {  	v20 =	vor.u32 v2, v19;
	_ =	sdelay $0x3  }
0x20c: {  	[tilespmem:v17+s6+$0x0] =	vst.idx.msk $0xffff, v18  }
0x20d: {  	v17 =	vld.idx.msk [tilespmem:v20+s21+$0x0], $0xffff  }
0x20e: {  	v18 =	vor.u32 v3, v16  }
0x20f: {  	v20 =	vor.u32 v4, v19;
	_ =	sdelay $0x3  }
0x210: {  	[tilespmem:v18+s6+$0x0] =	vst.idx.msk $0xffff, v17  }
0x211: {  	v17 =	vld.idx.msk [tilespmem:v20+s21+$0x0], $0xffff  }
0x212: {  	v18 =	vor.u32 v5, v16  }
0x213: {  	v20 =	vor.u32 v6, v19;
	_ =	sdelay $0x3  }
0x214: {  	[tilespmem:v18+s6+$0x0] =	vst.idx.msk $0xffff, v17  }
0x215: {  	v17 =	vld.idx.msk [tilespmem:v20+s21+$0x0], $0xffff  }
0x216: {  	v18 =	vor.u32 v7, v16  }
0x217: {  	v20 =	vor.u32 v8, v19;
	_ =	sdelay $0x3  }
0x218: {  	[tilespmem:v18+s6+$0x0] =	vst.idx.msk $0xffff, v17  }
0x219: {  	v17 =	vld.idx.msk [tilespmem:v20+s21+$0x0], $0xffff  }
0x21a: {  	v18 =	vor.u32 v9, v16  }
0x21b: {  	v20 =	vor.u32 v10, v19;
	_ =	sdelay $0x3  }
0x21c: {  	[tilespmem:v18+s6+$0x0] =	vst.idx.msk $0xffff, v17  }
0x21d: {  	v17 =	vld.idx.msk [tilespmem:v20+s21+$0x0], $0xffff  }
0x21e: {  	v18 =	vor.u32 v11, v16  }
0x21f: {  	v20 =	vor.u32 v12, v19;
	_ =	sdelay $0x3  }
0x220: {  	[tilespmem:v18+s6+$0x0] =	vst.idx.msk $0xffff, v17  }
0x221: {  	v17 =	vld.idx.msk [tilespmem:v20+s21+$0x0], $0xffff  }
0x222: {  	v18 =	vor.u32 v13, v16  }
0x223: {  	v19 =	vor.u32 v14, v19  }
.Ltmp18:
0x224: {  	(pc) =	sbr.rel @p0 .LBB2_27-.Ltmp18, $3  }
0x225: {  	_ =	sdelay $0x1  }
0x226: {  	[tilespmem:v18+s6+$0x0] =	vst.idx.msk $0xffff, v17  }
0x227: {  	v17 =	vadd.s32 s7, v0;
	s7 =	sadd.s32 $0x1, s7;
	v18 =	vld.idx.msk [tilespmem:v19+s21+$0x0], $0xffff  }
0x228: {  	v19 =	vand.u32 $0x3F, v17;
	v16 =	vor.u32 v15, v16  }
0x229: {  	v20 =	vor.u32 v1, v19;
	_ =	sdelay $0x2  }
0x22a: {  	v17 =	vshll.u32 v17, $0x7  }
0x22b: {  	[tilespmem:v16+s6+$0x0] =	vst.idx.msk $0xffff, v18;
	v16 =	vand.u32 $0x1F80, v17  }
0x22c: {  	v17 =	vld.idx.msk [tilespmem:v20+s21+$0x0], $0xffff;
	v51 =	vor.u32 v0, v16  }
0x22d: {  	v52 =	vor.u32 v2, v19;
	_ =	sdelay $0x3  }
0x22e: {  	[tilespmem:v51+s6+$0x0] =	vst.idx.msk $0xffff, v17  }
0x22f: {  	v53 =	vor.u32 v3, v16;
	v17 =	vld.idx.msk [tilespmem:v52+s21+$0x0], $0xffff  }
0x230: {  	v54 =	vor.u32 v4, v19;
	_ =	sdelay $0x3  }
0x231: {  	[tilespmem:v53+s6+$0x0] =	vst.idx.msk $0xffff, v17  }
0x232: {  	v55 =	vor.u32 v5, v16;
	v17 =	vld.idx.msk [tilespmem:v54+s21+$0x0], $0xffff  }
0x233: {  	v56 =	vor.u32 v6, v19;
	_ =	sdelay $0x3  }
0x234: {  	[tilespmem:v55+s6+$0x0] =	vst.idx.msk $0xffff, v17  }
0x235: {  	v57 =	vor.u32 v7, v16;
	v17 =	vld.idx.msk [tilespmem:v56+s21+$0x0], $0xffff  }
0x236: {  	v58 =	vor.u32 v8, v19;
	_ =	sdelay $0x3  }
0x237: {  	[tilespmem:v57+s6+$0x0] =	vst.idx.msk $0xffff, v17  }
0x238: {  	v59 =	vor.u32 v9, v16;
	v17 =	vld.idx.msk [tilespmem:v58+s21+$0x0], $0xffff  }
0x239: {  	v60 =	vor.u32 v10, v19;
	_ =	sdelay $0x3  }
0x23a: {  	[tilespmem:v59+s6+$0x0] =	vst.idx.msk $0xffff, v17  }
0x23b: {  	v61 =	vor.u32 v11, v16;
	v17 =	vld.idx.msk [tilespmem:v60+s21+$0x0], $0xffff  }
0x23c: {  	v62 =	vor.u32 v12, v19;
	_ =	sdelay $0x3  }
0x23d: {  	[tilespmem:v61+s6+$0x0] =	vst.idx.msk $0xffff, v17  }
0x23e: {  	v63 =	vor.u32 v13, v16;
	v17 =	vld.idx.msk [tilespmem:v62+s21+$0x0], $0xffff  }
0x23f: {  	v19 =	vor.u32 v14, v19;
	_ =	sdelay $0x3  }
0x240: {  	[tilespmem:v63+s6+$0x0] =	vst.idx.msk $0xffff, v17  }
0x241: {  	v16 =	vor.u32 v15, v16;
	v17 =	vld.idx.msk [tilespmem:v19+s21+$0x0], $0xffff  }
0x242: {  	p0 =	seq.s32 s11, $0xF  }
.Ltmp19:
0x243: {  	s7 =	sadd.s32 s12, s10;
	(pc) =	sbr.rel @p0 .LBB2_30-.Ltmp19, $4  }
0x244: {  	s7 =	sshll.u32 s7, $0x7  }
0x245: {  	s7 =	sand.u32 $0x1FFFFF80, s7  }
0x246: {  	s7 =	sadd.s32 s2, s7;
	[tilespmem:v16+s6+$0x0] =	vst.idx.msk $0xffff, v17  }
0x247: {  	[hbm4b:s7+s24] =	stream.strided.scatter [tilespmem:s6], [sflag:$0xA], $0x2000, s25, s24, $0x38;
	[tilespmem:$0x16800] =	vst v63  }
0x248: {  	s7 =	smul.u32 $0xA00, s11  }
.Ltmp20:
0x249: {  	_ = 	snop;
	(pc) =	sbr.rel .LBB2_2-.Ltmp20, $4  }
0x24a: {  	_ = 	snop  }
0x24b: {  	s7 =	sshra.s32 s7, $0x2  }
0x24c: {  	s11 =	sadd.s32 $0x1, s11;
	s7 =	sadd.s32 $0x480, s7  }
0x24d: {  	[tilespmem:s21], [sflag:$0x5] =	stream.indirect.gather [hbm4b:s5+s13], $0x40, s7, s13, $0xb8;
	[tilespmem:$0x16800] =	vst v63  }
.LBB2_31:
0x24e: {  	_ =	sfence.sel $0x180000  }
0x24f: {  	[bflag:$0x0] =	sbarrier.arrive $0xFFFF  }
0x250: {  	_ =	strace $0x90000047  }
0x251: {  	s0 =	stileid.u32;
	[bflag:$0x2] =	sbarrier.arrive $0xFFFF  }
0x252: {  	p0 =	sne.s32 s0, $0x0;
	s0 =	rddreg [dreg:$0x2]  }
0x253: {  	s0 =	sadd.s32 @!p0 $0x100000, s0  }
0x254: {  	[sflag:s0] =	ssyncadd.tile.s32 @!p0 $0x1;
	_ =	shalt  }
.Lfunc_end2:
_tile_overlayer_lowered:
.L_overlay_start_2:
0x255: {  	(tag) =	ssettag $0x2  }
0x256: {  	s0 =	rddreg [dreg:$0x0];
	s2 =	stileid.u32  }
0x257: {  	s1 =	rddreg [dreg:$0x1];
	p0 =	sne.s32 s2, $0x0  }
0x258: {  	s3 =	rddreg [dreg:$0x2];
	[bflag:$0x3] =	sbarrier.arrive $0xFFFF;
	s2 =	simm.s32 @!p0 $0x1C0B  }
0x259: {  	[timem:s3], [sflag:s2] =	dma.local @!p0 [hbm:s0], s1  }
0x25a: {  	s0 =	simm.s32 @!p0 $0xB  }
0x25b: {  	_ =	swait.ge @!p0 [sflag:s0], s1  }
0x25c: {  	s1 =	ssub.s32 @!p0 $0x0, s1;
	[sflag:s0] =	ssyncset.done @!p0 $0x0  }
0x25d: {  	[sflag:s0] =	ssyncadd.s32 @!p0 s1  }
0x25e: {  	[bflag:$0x3] =	sbarrier.arrive $0xFFFF  }
0x25f: {  	_ =	shalt  }

</sc_bundles>
